<compile_context>
chip_gen: v7x
topology: tpu7x:2x2x1
jax: 0.10.2.dev20260603
libtpu: 0.0.44.dev20260713+nightly
codegen_flags: <defaults>
</compile_context>

<pallas_src>
import functools

import jax
import jax.numpy as jnp
from jax import lax
from jax.experimental import pallas as pl
from jax.experimental.pallas import tpu as pltpu
from jax.experimental.pallas import tpu_sc as plsc

D_M = 64
SCALE = 8.0
NC = 2
NS = 16
NW = NC * NS
G = 128
IB = 2048
RB = 4096


def _tc_pair_body(t_ref, o_ref):
    t = jnp.transpose(t_ref[...], (1, 0))
    o_ref[:, 0:D_M] = t
    o_ref[:, D_M:2 * D_M] = t


@functools.lru_cache(maxsize=None)
def _build_pair(V):
    return pl.pallas_call(
        _tc_pair_body,
        out_shape=jax.ShapeDtypeStruct((V, 2 * D_M), jnp.float32),
        grid=(pl.cdiv(V, RB),),
        in_specs=[pl.BlockSpec((D_M, RB), lambda i: (0, i))],
        out_specs=pl.BlockSpec((RB, 2 * D_M), lambda i: (i, 0)),
    )


@functools.lru_cache(maxsize=None)
def _build_gather(S0, S1, V):
    IW = S0 // NW
    NQ = IW // G
    mesh = plsc.VectorSubcoreMesh(core_axis_name="c", subcore_axis_name="s")

    @functools.partial(
        pl.kernel,
        out_type=jax.ShapeDtypeStruct((S1 // 2, S0, 2 * D_M), jnp.float32),
        mesh=mesh,
        scratch_types=[
            pltpu.VMEM((NQ, G), jnp.int32),
            pltpu.VMEM((NQ, G), jnp.int32),
            pltpu.VMEM((G, 2 * D_M), jnp.float32),
            pltpu.VMEM((G, 2 * D_M), jnp.float32),
            pltpu.VMEM((G, 2 * D_M), jnp.float32),
            pltpu.SemaphoreType.DMA,
        ],
    )
    def k(xt_hbm, tbl_hbm, out_hbm, ie_v, io_v, re_v, ro_v, big_v, gsem):
        wid = lax.axis_index("s") * NC + lax.axis_index("c")
        i0 = wid * IW

        def j_body(jp, carry):
            j = jp + jp
            for q in range(NQ):
                pltpu.sync_copy(
                    xt_hbm.at[j, pl.ds(i0 + q * G, G)], ie_v.at[q]
                )
                pltpu.sync_copy(
                    xt_hbm.at[j + 1, pl.ds(i0 + q * G, G)], io_v.at[q]
                )
            for q in range(NQ):
                pltpu.async_copy(tbl_hbm.at[ie_v.at[q]], re_v, gsem)
                cpo = pltpu.async_copy(tbl_hbm.at[io_v.at[q]], ro_v, gsem)
                cpo.wait()
                cpo.wait()

                def row_body(r, rcarry):
                    for s in range(D_M // 16):
                        sl = pl.ds(16 * s, 16)
                        big_v[r, pl.ds(16 * s, 16)] = re_v[r, sl]
                        big_v[r, pl.ds(D_M + 16 * s, 16)] = ro_v[r, sl]
                    return rcarry

                lax.fori_loop(0, G, row_body, 0)
                pltpu.sync_copy(
                    big_v, out_hbm.at[jp, pl.ds(i0 + q * G, G)]
                )
            return carry

        lax.fori_loop(0, S1 // 2, j_body, 0)

    return k


def _tc_transpose_body(s_ref, o_ref):
    t = jnp.transpose(s_ref[0], (1, 0))
    o_ref[...] = t.reshape(2, D_M, IB) + SCALE


@functools.lru_cache(maxsize=None)
def _build_transpose(S0, S1):
    return pl.pallas_call(
        _tc_transpose_body,
        out_shape=jax.ShapeDtypeStruct((S1, D_M, S0), jnp.float32),
        grid=(S1 // 2, S0 // IB),
        in_specs=[
            pl.BlockSpec((1, IB, 2 * D_M), lambda j, i: (j, i, 0)),
        ],
        out_specs=pl.BlockSpec((2, D_M, IB), lambda j, i: (j, 0, i)),
    )


def kernel(x, table):
    s0, s1 = x.shape
    V = table.shape[0]
    xt = x.T
    tblp = _build_pair(V)(table.T)
    scratch = _build_gather(s0, s1, V)(xt, tblp)
    out = _build_transpose(s0, s1)(scratch)
    return out.transpose(2, 0, 1)

# --- scband reference (transcript-rebuilt; emitter-appended) ---
"""Pipeline reference for scband-embedding-86114094284809 (READ-ONLY COPY).

The authoritative reference and input builder live on the scoring server;
editing this copy changes nothing except your own understanding.
"""

import jax, jax.numpy as jnp
import numpy as np
import math

D_MODEL = 64
VOCAB_SIZE = 1000000

def setup_inputs(seed: int = 0) -> dict:
    key = jax.random.key(seed)
    k1, k2 = jax.random.split(key)
    x = jax.random.randint(k1, (16384, 50), 0, VOCAB_SIZE, dtype=jnp.int32)
    table = jax.random.normal(k2, (VOCAB_SIZE, D_MODEL), dtype=jnp.float32)
    return {"x": x, "table": table}

def reference(x, table):
    # Faithful translation of: self.embedding(x) + math.sqrt(self.d_model)
    emb = jnp.take(table, x, axis=0)
    return emb + math.sqrt(D_MODEL)

if __name__ == "__main__":
    import jax
    _d = setup_inputs()
    print(jax.jit(kernel)(*tuple(_d.values())))

</pallas_src>

<mosaic_0001>
#map = affine_map<(d0, d1) -> (0, 0)>
#map1 = affine_map<(d0, d1) -> (0, 0, 0)>
module attributes {stable_mosaic.version = 14 : i64} {
  func.func @k(%arg0: i32, %arg1: i32, %arg2: memref<50x16384xi32, #tpu.memory_space<hbm>>, %arg3: memref<1000000x128xf32, #tpu.memory_space<hbm>>, %arg4: memref<25x16384x128xf32, #tpu.memory_space<hbm>>, %arg5: memref<4x128xi32, #tpu.memory_space<vmem>>, %arg6: memref<4x128xi32, #tpu.memory_space<vmem>>, %arg7: memref<128x128xf32, #tpu.memory_space<vmem>>, %arg8: memref<128x128xf32, #tpu.memory_space<vmem>>, %arg9: memref<128x128xf32, #tpu.memory_space<vmem>>, %arg10: memref<!tpu.dma_semaphore, #tpu.memory_space<semaphore_mem>>) attributes {dimension_semantics = [#tpu.dimension_semantics<core_parallel>, #tpu.dimension_semantics<subcore_parallel>], iteration_bounds = array<i64: 2, 16>, scalar_prefetch = 0 : i64, scratch_operands = 6 : i64, tpu.core_type = #tpu.core_type<sc_vector_subcore>, window_params = [{transform_indices = #map}, {transform_indices = #map}, {transform_indices = #map1}]} {
    %mul3A = arith.constant 2 : i32
    %mul3A_0 = arith.muli %arg1, %mul3A : i32
    %add3A = arith.addi %mul3A_0, %arg0 : i32
    %mul3A_1 = arith.constant 512 : i32
    %mul3A_2 = arith.muli %add3A, %mul3A_1 : i32
    %scan3A = arith.constant 0 : i32
    %scan3A_3 = arith.constant 0 : i32
    %scan3A_4 = arith.constant 25 : i32
    %scan3A_5 = arith.addi %scan3A_3, %scan3A_4 : i32
    %scan3A_6 = arith.constant 1 : i32
    scf.for %scan3A_8 = %scan3A_3 to %scan3A_5 step %scan3A_6  : i32 {
      %add3A_9 = arith.addi %scan3A_8, %scan3A_8 : i32
      %add3A_10 = arith.constant 0 : i32
      %add3A_11 = arith.addi %mul3A_2, %add3A_10 : i32
      %run_scoped3A = arith.constant 0 : i32
      "tpu.region"() ({
        %run_scoped3A_183 = tpu.sem_alloc : memref<!tpu.dma_semaphore, #tpu.memory_space<semaphore_mem>>
        %dma_start3A_184 = arith.constant 0 : i32
        %dma_start3A_185 = tpu.memref_slice %arg5[%run_scoped3A, %dma_start3A_184] : memref<4x128xi32, #tpu.memory_space<vmem>> -> memref<1x128xi32, #tpu.memory_space<vmem>>
        %dma_start3A_186 = tpu.memref_squeeze %dma_start3A_185 : memref<1x128xi32, #tpu.memory_space<vmem>> -> memref<128xi32, #tpu.memory_space<vmem>>
        %dma_start3A_187 = tpu.memref_slice %arg2[%add3A_9, %add3A_11] : memref<50x16384xi32, #tpu.memory_space<hbm>> -> memref<1x128xi32, #tpu.memory_space<hbm>>
        %dma_start3A_188 = tpu.memref_squeeze %dma_start3A_187 : memref<1x128xi32, #tpu.memory_space<hbm>> -> memref<128xi32, #tpu.memory_space<hbm>>
        %dma_start3A_189 = arith.constant 0 : i32
        %dma_start3A_190 = tpu.memref_slice %arg5[%run_scoped3A, %dma_start3A_189] : memref<4x128xi32, #tpu.memory_space<vmem>> -> memref<1x128xi32, #tpu.memory_space<vmem>>
        %dma_start3A_191 = tpu.memref_squeeze %dma_start3A_190 : memref<1x128xi32, #tpu.memory_space<vmem>> -> memref<128xi32, #tpu.memory_space<vmem>>
        %dma_start3A_192 = tpu.memref_slice %arg2[%add3A_9, %add3A_11] : memref<50x16384xi32, #tpu.memory_space<hbm>> -> memref<1x128xi32, #tpu.memory_space<hbm>>
        %dma_start3A_193 = tpu.memref_squeeze %dma_start3A_192 : memref<1x128xi32, #tpu.memory_space<hbm>> -> memref<128xi32, #tpu.memory_space<hbm>>
        tpu.enqueue_dma source(%dma_start3A_193 : memref<128xi32, #tpu.memory_space<hbm>>) target(%dma_start3A_191 : memref<128xi32, #tpu.memory_space<vmem>>) target_semaphore(%run_scoped3A_183 : memref<!tpu.dma_semaphore, #tpu.memory_space<semaphore_mem>>)
        %dma_wait3A_194 = arith.constant 0 : i32
        %dma_wait3A_195 = tpu.memref_slice %arg5[%run_scoped3A, %dma_wait3A_194] : memref<4x128xi32, #tpu.memory_space<vmem>> -> memref<1x128xi32, #tpu.memory_space<vmem>>
        %dma_wait3A_196 = tpu.memref_squeeze %dma_wait3A_195 : memref<1x128xi32, #tpu.memory_space<vmem>> -> memref<128xi32, #tpu.memory_space<vmem>>
        %dma_wait3A_197 = tpu.memref_slice %arg2[%add3A_9, %add3A_11] : memref<50x16384xi32, #tpu.memory_space<hbm>> -> memref<1x128xi32, #tpu.memory_space<hbm>>
        %dma_wait3A_198 = tpu.memref_squeeze %dma_wait3A_197 : memref<1x128xi32, #tpu.memory_space<hbm>> -> memref<128xi32, #tpu.memory_space<hbm>>
        %dma_wait3A_199 = arith.constant 0 : i32
        %dma_wait3A_200 = tpu.memref_slice %arg5[%run_scoped3A, %dma_wait3A_199] : memref<4x128xi32, #tpu.memory_space<vmem>> -> memref<1x128xi32, #tpu.memory_space<vmem>>
        %dma_wait3A_201 = tpu.memref_squeeze %dma_wait3A_200 : memref<1x128xi32, #tpu.memory_space<vmem>> -> memref<128xi32, #tpu.memory_space<vmem>>
        %dma_wait3A_202 = tpu.memref_slice %arg2[%add3A_9, %add3A_11] : memref<50x16384xi32, #tpu.memory_space<hbm>> -> memref<1x128xi32, #tpu.memory_space<hbm>>
        %dma_wait3A_203 = tpu.memref_squeeze %dma_wait3A_202 : memref<1x128xi32, #tpu.memory_space<hbm>> -> memref<128xi32, #tpu.memory_space<hbm>>
        tpu.wait_dma2 semaphore(%run_scoped3A_183 : memref<!tpu.dma_semaphore, #tpu.memory_space<semaphore_mem>>) src(%dma_wait3A_203 : memref<128xi32, #tpu.memory_space<hbm>>) dst(%dma_wait3A_201 : memref<128xi32, #tpu.memory_space<vmem>>)
        tpu.yield
      }) : () -> ()
      %add3A_12 = arith.constant 1 : i32
      %add3A_13 = arith.addi %add3A_9, %add3A_12 : i32
      %add3A_14 = arith.constant 0 : i32
      %add3A_15 = arith.addi %mul3A_2, %add3A_14 : i32
      %run_scoped3A_16 = arith.constant 0 : i32
      "tpu.region"() ({
        %run_scoped3A_183 = tpu.sem_alloc : memref<!tpu.dma_semaphore, #tpu.memory_space<semaphore_mem>>
        %dma_start3A_184 = arith.constant 0 : i32
        %dma_start3A_185 = tpu.memref_slice %arg6[%run_scoped3A_16, %dma_start3A_184] : memref<4x128xi32, #tpu.memory_space<vmem>> -> memref<1x128xi32, #tpu.memory_space<vmem>>
        %dma_start3A_186 = tpu.memref_squeeze %dma_start3A_185 : memref<1x128xi32, #tpu.memory_space<vmem>> -> memref<128xi32, #tpu.memory_space<vmem>>
        %dma_start3A_187 = tpu.memref_slice %arg2[%add3A_13, %add3A_15] : memref<50x16384xi32, #tpu.memory_space<hbm>> -> memref<1x128xi32, #tpu.memory_space<hbm>>
        %dma_start3A_188 = tpu.memref_squeeze %dma_start3A_187 : memref<1x128xi32, #tpu.memory_space<hbm>> -> memref<128xi32, #tpu.memory_space<hbm>>
        %dma_start3A_189 = arith.constant 0 : i32
        %dma_start3A_190 = tpu.memref_slice %arg6[%run_scoped3A_16, %dma_start3A_189] : memref<4x128xi32, #tpu.memory_space<vmem>> -> memref<1x128xi32, #tpu.memory_space<vmem>>
        %dma_start3A_191 = tpu.memref_squeeze %dma_start3A_190 : memref<1x128xi32, #tpu.memory_space<vmem>> -> memref<128xi32, #tpu.memory_space<vmem>>
        %dma_start3A_192 = tpu.memref_slice %arg2[%add3A_13, %add3A_15] : memref<50x16384xi32, #tpu.memory_space<hbm>> -> memref<1x128xi32, #tpu.memory_space<hbm>>
        %dma_start3A_193 = tpu.memref_squeeze %dma_start3A_192 : memref<1x128xi32, #tpu.memory_space<hbm>> -> memref<128xi32, #tpu.memory_space<hbm>>
        tpu.enqueue_dma source(%dma_start3A_193 : memref<128xi32, #tpu.memory_space<hbm>>) target(%dma_start3A_191 : memref<128xi32, #tpu.memory_space<vmem>>) target_semaphore(%run_scoped3A_183 : memref<!tpu.dma_semaphore, #tpu.memory_space<semaphore_mem>>)
        %dma_wait3A_194 = arith.constant 0 : i32
        %dma_wait3A_195 = tpu.memref_slice %arg6[%run_scoped3A_16, %dma_wait3A_194] : memref<4x128xi32, #tpu.memory_space<vmem>> -> memref<1x128xi32, #tpu.memory_space<vmem>>
        %dma_wait3A_196 = tpu.memref_squeeze %dma_wait3A_195 : memref<1x128xi32, #tpu.memory_space<vmem>> -> memref<128xi32, #tpu.memory_space<vmem>>
        %dma_wait3A_197 = tpu.memref_slice %arg2[%add3A_13, %add3A_15] : memref<50x16384xi32, #tpu.memory_space<hbm>> -> memref<1x128xi32, #tpu.memory_space<hbm>>
        %dma_wait3A_198 = tpu.memref_squeeze %dma_wait3A_197 : memref<1x128xi32, #tpu.memory_space<hbm>> -> memref<128xi32, #tpu.memory_space<hbm>>
        %dma_wait3A_199 = arith.constant 0 : i32
        %dma_wait3A_200 = tpu.memref_slice %arg6[%run_scoped3A_16, %dma_wait3A_199] : memref<4x128xi32, #tpu.memory_space<vmem>> -> memref<1x128xi32, #tpu.memory_space<vmem>>
        %dma_wait3A_201 = tpu.memref_squeeze %dma_wait3A_200 : memref<1x128xi32, #tpu.memory_space<vmem>> -> memref<128xi32, #tpu.memory_space<vmem>>
        %dma_wait3A_202 = tpu.memref_slice %arg2[%add3A_13, %add3A_15] : memref<50x16384xi32, #tpu.memory_space<hbm>> -> memref<1x128xi32, #tpu.memory_space<hbm>>
        %dma_wait3A_203 = tpu.memref_squeeze %dma_wait3A_202 : memref<1x128xi32, #tpu.memory_space<hbm>> -> memref<128xi32, #tpu.memory_space<hbm>>
        tpu.wait_dma2 semaphore(%run_scoped3A_183 : memref<!tpu.dma_semaphore, #tpu.memory_space<semaphore_mem>>) src(%dma_wait3A_203 : memref<128xi32, #tpu.memory_space<hbm>>) dst(%dma_wait3A_201 : memref<128xi32, #tpu.memory_space<vmem>>)
        tpu.yield
      }) : () -> ()
      %add3A_17 = arith.constant 128 : i32
      %add3A_18 = arith.addi %mul3A_2, %add3A_17 : i32
      %run_scoped3A_19 = arith.constant 1 : i32
      "tpu.region"() ({
        %run_scoped3A_183 = tpu.sem_alloc : memref<!tpu.dma_semaphore, #tpu.memory_space<semaphore_mem>>
        %dma_start3A_184 = arith.constant 0 : i32
        %dma_start3A_185 = tpu.memref_slice %arg5[%run_scoped3A_19, %dma_start3A_184] : memref<4x128xi32, #tpu.memory_space<vmem>> -> memref<1x128xi32, #tpu.memory_space<vmem>>
        %dma_start3A_186 = tpu.memref_squeeze %dma_start3A_185 : memref<1x128xi32, #tpu.memory_space<vmem>> -> memref<128xi32, #tpu.memory_space<vmem>>
        %dma_start3A_187 = tpu.memref_slice %arg2[%add3A_9, %add3A_18] : memref<50x16384xi32, #tpu.memory_space<hbm>> -> memref<1x128xi32, #tpu.memory_space<hbm>>
        %dma_start3A_188 = tpu.memref_squeeze %dma_start3A_187 : memref<1x128xi32, #tpu.memory_space<hbm>> -> memref<128xi32, #tpu.memory_space<hbm>>
        %dma_start3A_189 = arith.constant 0 : i32
        %dma_start3A_190 = tpu.memref_slice %arg5[%run_scoped3A_19, %dma_start3A_189] : memref<4x128xi32, #tpu.memory_space<vmem>> -> memref<1x128xi32, #tpu.memory_space<vmem>>
        %dma_start3A_191 = tpu.memref_squeeze %dma_start3A_190 : memref<1x128xi32, #tpu.memory_space<vmem>> -> memref<128xi32, #tpu.memory_space<vmem>>
        %dma_start3A_192 = tpu.memref_slice %arg2[%add3A_9, %add3A_18] : memref<50x16384xi32, #tpu.memory_space<hbm>> -> memref<1x128xi32, #tpu.memory_space<hbm>>
        %dma_start3A_193 = tpu.memref_squeeze %dma_start3A_192 : memref<1x128xi32, #tpu.memory_space<hbm>> -> memref<128xi32, #tpu.memory_space<hbm>>
        tpu.enqueue_dma source(%dma_start3A_193 : memref<128xi32, #tpu.memory_space<hbm>>) target(%dma_start3A_191 : memref<128xi32, #tpu.memory_space<vmem>>) target_semaphore(%run_scoped3A_183 : memref<!tpu.dma_semaphore, #tpu.memory_space<semaphore_mem>>)
        %dma_wait3A_194 = arith.constant 0 : i32
        %dma_wait3A_195 = tpu.memref_slice %arg5[%run_scoped3A_19, %dma_wait3A_194] : memref<4x128xi32, #tpu.memory_space<vmem>> -> memref<1x128xi32, #tpu.memory_space<vmem>>
        %dma_wait3A_196 = tpu.memref_squeeze %dma_wait3A_195 : memref<1x128xi32, #tpu.memory_space<vmem>> -> memref<128xi32, #tpu.memory_space<vmem>>
        %dma_wait3A_197 = tpu.memref_slice %arg2[%add3A_9, %add3A_18] : memref<50x16384xi32, #tpu.memory_space<hbm>> -> memref<1x128xi32, #tpu.memory_space<hbm>>
        %dma_wait3A_198 = tpu.memref_squeeze %dma_wait3A_197 : memref<1x128xi32, #tpu.memory_space<hbm>> -> memref<128xi32, #tpu.memory_space<hbm>>
        %dma_wait3A_199 = arith.constant 0 : i32
        %dma_wait3A_200 = tpu.memref_slice %arg5[%run_scoped3A_19, %dma_wait3A_199] : memref<4x128xi32, #tpu.memory_space<vmem>> -> memref<1x128xi32, #tpu.memory_space<vmem>>
        %dma_wait3A_201 = tpu.memref_squeeze %dma_wait3A_200 : memref<1x128xi32, #tpu.memory_space<vmem>> -> memref<128xi32, #tpu.memory_space<vmem>>
        %dma_wait3A_202 = tpu.memref_slice %arg2[%add3A_9, %add3A_18] : memref<50x16384xi32, #tpu.memory_space<hbm>> -> memref<1x128xi32, #tpu.memory_space<hbm>>
        %dma_wait3A_203 = tpu.memref_squeeze %dma_wait3A_202 : memref<1x128xi32, #tpu.memory_space<hbm>> -> memref<128xi32, #tpu.memory_space<hbm>>
        tpu.wait_dma2 semaphore(%run_scoped3A_183 : memref<!tpu.dma_semaphore, #tpu.memory_space<semaphore_mem>>) src(%dma_wait3A_203 : memref<128xi32, #tpu.memory_space<hbm>>) dst(%dma_wait3A_201 : memref<128xi32, #tpu.memory_space<vmem>>)
        tpu.yield
      }) : () -> ()
      %add3A_20 = arith.constant 1 : i32
      %add3A_21 = arith.addi %add3A_9, %add3A_20 : i32
      %add3A_22 = arith.constant 128 : i32
      %add3A_23 = arith.addi %mul3A_2, %add3A_22 : i32
      %run_scoped3A_24 = arith.constant 1 : i32
      "tpu.region"() ({
        %run_scoped3A_183 = tpu.sem_alloc : memref<!tpu.dma_semaphore, #tpu.memory_space<semaphore_mem>>
        %dma_start3A_184 = arith.constant 0 : i32
        %dma_start3A_185 = tpu.memref_slice %arg6[%run_scoped3A_24, %dma_start3A_184] : memref<4x128xi32, #tpu.memory_space<vmem>> -> memref<1x128xi32, #tpu.memory_space<vmem>>
        %dma_start3A_186 = tpu.memref_squeeze %dma_start3A_185 : memref<1x128xi32, #tpu.memory_space<vmem>> -> memref<128xi32, #tpu.memory_space<vmem>>
        %dma_start3A_187 = tpu.memref_slice %arg2[%add3A_21, %add3A_23] : memref<50x16384xi32, #tpu.memory_space<hbm>> -> memref<1x128xi32, #tpu.memory_space<hbm>>
        %dma_start3A_188 = tpu.memref_squeeze %dma_start3A_187 : memref<1x128xi32, #tpu.memory_space<hbm>> -> memref<128xi32, #tpu.memory_space<hbm>>
        %dma_start3A_189 = arith.constant 0 : i32
        %dma_start3A_190 = tpu.memref_slice %arg6[%run_scoped3A_24, %dma_start3A_189] : memref<4x128xi32, #tpu.memory_space<vmem>> -> memref<1x128xi32, #tpu.memory_space<vmem>>
        %dma_start3A_191 = tpu.memref_squeeze %dma_start3A_190 : memref<1x128xi32, #tpu.memory_space<vmem>> -> memref<128xi32, #tpu.memory_space<vmem>>
        %dma_start3A_192 = tpu.memref_slice %arg2[%add3A_21, %add3A_23] : memref<50x16384xi32, #tpu.memory_space<hbm>> -> memref<1x128xi32, #tpu.memory_space<hbm>>
        %dma_start3A_193 = tpu.memref_squeeze %dma_start3A_192 : memref<1x128xi32, #tpu.memory_space<hbm>> -> memref<128xi32, #tpu.memory_space<hbm>>
        tpu.enqueue_dma source(%dma_start3A_193 : memref<128xi32, #tpu.memory_space<hbm>>) target(%dma_start3A_191 : memref<128xi32, #tpu.memory_space<vmem>>) target_semaphore(%run_scoped3A_183 : memref<!tpu.dma_semaphore, #tpu.memory_space<semaphore_mem>>)
        %dma_wait3A_194 = arith.constant 0 : i32
        %dma_wait3A_195 = tpu.memref_slice %arg6[%run_scoped3A_24, %dma_wait3A_194] : memref<4x128xi32, #tpu.memory_space<vmem>> -> memref<1x128xi32, #tpu.memory_space<vmem>>
        %dma_wait3A_196 = tpu.memref_squeeze %dma_wait3A_195 : memref<1x128xi32, #tpu.memory_space<vmem>> -> memref<128xi32, #tpu.memory_space<vmem>>
        %dma_wait3A_197 = tpu.memref_slice %arg2[%add3A_21, %add3A_23] : memref<50x16384xi32, #tpu.memory_space<hbm>> -> memref<1x128xi32, #tpu.memory_space<hbm>>
        %dma_wait3A_198 = tpu.memref_squeeze %dma_wait3A_197 : memref<1x128xi32, #tpu.memory_space<hbm>> -> memref<128xi32, #tpu.memory_space<hbm>>
        %dma_wait3A_199 = arith.constant 0 : i32
        %dma_wait3A_200 = tpu.memref_slice %arg6[%run_scoped3A_24, %dma_wait3A_199] : memref<4x128xi32, #tpu.memory_space<vmem>> -> memref<1x128xi32, #tpu.memory_space<vmem>>
        %dma_wait3A_201 = tpu.memref_squeeze %dma_wait3A_200 : memref<1x128xi32, #tpu.memory_space<vmem>> -> memref<128xi32, #tpu.memory_space<vmem>>
        %dma_wait3A_202 = tpu.memref_slice %arg2[%add3A_21, %add3A_23] : memref<50x16384xi32, #tpu.memory_space<hbm>> -> memref<1x128xi32, #tpu.memory_space<hbm>>
        %dma_wait3A_203 = tpu.memref_squeeze %dma_wait3A_202 : memref<1x128xi32, #tpu.memory_space<hbm>> -> memref<128xi32, #tpu.memory_space<hbm>>
        tpu.wait_dma2 semaphore(%run_scoped3A_183 : memref<!tpu.dma_semaphore, #tpu.memory_space<semaphore_mem>>) src(%dma_wait3A_203 : memref<128xi32, #tpu.memory_space<hbm>>) dst(%dma_wait3A_201 : memref<128xi32, #tpu.memory_space<vmem>>)
        tpu.yield
      }) : () -> ()
      %add3A_25 = arith.constant 256 : i32
      %add3A_26 = arith.addi %mul3A_2, %add3A_25 : i32
      %run_scoped3A_27 = arith.constant 2 : i32
      "tpu.region"() ({
        %run_scoped3A_183 = tpu.sem_alloc : memref<!tpu.dma_semaphore, #tpu.memory_space<semaphore_mem>>
        %dma_start3A_184 = arith.constant 0 : i32
        %dma_start3A_185 = tpu.memref_slice %arg5[%run_scoped3A_27, %dma_start3A_184] : memref<4x128xi32, #tpu.memory_space<vmem>> -> memref<1x128xi32, #tpu.memory_space<vmem>>
        %dma_start3A_186 = tpu.memref_squeeze %dma_start3A_185 : memref<1x128xi32, #tpu.memory_space<vmem>> -> memref<128xi32, #tpu.memory_space<vmem>>
        %dma_start3A_187 = tpu.memref_slice %arg2[%add3A_9, %add3A_26] : memref<50x16384xi32, #tpu.memory_space<hbm>> -> memref<1x128xi32, #tpu.memory_space<hbm>>
        %dma_start3A_188 = tpu.memref_squeeze %dma_start3A_187 : memref<1x128xi32, #tpu.memory_space<hbm>> -> memref<128xi32, #tpu.memory_space<hbm>>
        %dma_start3A_189 = arith.constant 0 : i32
        %dma_start3A_190 = tpu.memref_slice %arg5[%run_scoped3A_27, %dma_start3A_189] : memref<4x128xi32, #tpu.memory_space<vmem>> -> memref<1x128xi32, #tpu.memory_space<vmem>>
        %dma_start3A_191 = tpu.memref_squeeze %dma_start3A_190 : memref<1x128xi32, #tpu.memory_space<vmem>> -> memref<128xi32, #tpu.memory_space<vmem>>
        %dma_start3A_192 = tpu.memref_slice %arg2[%add3A_9, %add3A_26] : memref<50x16384xi32, #tpu.memory_space<hbm>> -> memref<1x128xi32, #tpu.memory_space<hbm>>
        %dma_start3A_193 = tpu.memref_squeeze %dma_start3A_192 : memref<1x128xi32, #tpu.memory_space<hbm>> -> memref<128xi32, #tpu.memory_space<hbm>>
        tpu.enqueue_dma source(%dma_start3A_193 : memref<128xi32, #tpu.memory_space<hbm>>) target(%dma_start3A_191 : memref<128xi32, #tpu.memory_space<vmem>>) target_semaphore(%run_scoped3A_183 : memref<!tpu.dma_semaphore, #tpu.memory_space<semaphore_mem>>)
        %dma_wait3A_194 = arith.constant 0 : i32
        %dma_wait3A_195 = tpu.memref_slice %arg5[%run_scoped3A_27, %dma_wait3A_194] : memref<4x128xi32, #tpu.memory_space<vmem>> -> memref<1x128xi32, #tpu.memory_space<vmem>>
        %dma_wait3A_196 = tpu.memref_squeeze %dma_wait3A_195 : memref<1x128xi32, #tpu.memory_space<vmem>> -> memref<128xi32, #tpu.memory_space<vmem>>
        %dma_wait3A_197 = tpu.memref_slice %arg2[%add3A_9, %add3A_26] : memref<50x16384xi32, #tpu.memory_space<hbm>> -> memref<1x128xi32, #tpu.memory_space<hbm>>
        %dma_wait3A_198 = tpu.memref_squeeze %dma_wait3A_197 : memref<1x128xi32, #tpu.memory_space<hbm>> -> memref<128xi32, #tpu.memory_space<hbm>>
        %dma_wait3A_199 = arith.constant 0 : i32
        %dma_wait3A_200 = tpu.memref_slice %arg5[%run_scoped3A_27, %dma_wait3A_199] : memref<4x128xi32, #tpu.memory_space<vmem>> -> memref<1x128xi32, #tpu.memory_space<vmem>>
        %dma_wait3A_201 = tpu.memref_squeeze %dma_wait3A_200 : memref<1x128xi32, #tpu.memory_space<vmem>> -> memref<128xi32, #tpu.memory_space<vmem>>
        %dma_wait3A_202 = tpu.memref_slice %arg2[%add3A_9, %add3A_26] : memref<50x16384xi32, #tpu.memory_space<hbm>> -> memref<1x128xi32, #tpu.memory_space<hbm>>
        %dma_wait3A_203 = tpu.memref_squeeze %dma_wait3A_202 : memref<1x128xi32, #tpu.memory_space<hbm>> -> memref<128xi32, #tpu.memory_space<hbm>>
        tpu.wait_dma2 semaphore(%run_scoped3A_183 : memref<!tpu.dma_semaphore, #tpu.memory_space<semaphore_mem>>) src(%dma_wait3A_203 : memref<128xi32, #tpu.memory_space<hbm>>) dst(%dma_wait3A_201 : memref<128xi32, #tpu.memory_space<vmem>>)
        tpu.yield
      }) : () -> ()
      %add3A_28 = arith.constant 1 : i32
      %add3A_29 = arith.addi %add3A_9, %add3A_28 : i32
      %add3A_30 = arith.constant 256 : i32
      %add3A_31 = arith.addi %mul3A_2, %add3A_30 : i32
      %run_scoped3A_32 = arith.constant 2 : i32
      "tpu.region"() ({
        %run_scoped3A_183 = tpu.sem_alloc : memref<!tpu.dma_semaphore, #tpu.memory_space<semaphore_mem>>
        %dma_start3A_184 = arith.constant 0 : i32
        %dma_start3A_185 = tpu.memref_slice %arg6[%run_scoped3A_32, %dma_start3A_184] : memref<4x128xi32, #tpu.memory_space<vmem>> -> memref<1x128xi32, #tpu.memory_space<vmem>>
        %dma_start3A_186 = tpu.memref_squeeze %dma_start3A_185 : memref<1x128xi32, #tpu.memory_space<vmem>> -> memref<128xi32, #tpu.memory_space<vmem>>
        %dma_start3A_187 = tpu.memref_slice %arg2[%add3A_29, %add3A_31] : memref<50x16384xi32, #tpu.memory_space<hbm>> -> memref<1x128xi32, #tpu.memory_space<hbm>>
        %dma_start3A_188 = tpu.memref_squeeze %dma_start3A_187 : memref<1x128xi32, #tpu.memory_space<hbm>> -> memref<128xi32, #tpu.memory_space<hbm>>
        %dma_start3A_189 = arith.constant 0 : i32
        %dma_start3A_190 = tpu.memref_slice %arg6[%run_scoped3A_32, %dma_start3A_189] : memref<4x128xi32, #tpu.memory_space<vmem>> -> memref<1x128xi32, #tpu.memory_space<vmem>>
        %dma_start3A_191 = tpu.memref_squeeze %dma_start3A_190 : memref<1x128xi32, #tpu.memory_space<vmem>> -> memref<128xi32, #tpu.memory_space<vmem>>
        %dma_start3A_192 = tpu.memref_slice %arg2[%add3A_29, %add3A_31] : memref<50x16384xi32, #tpu.memory_space<hbm>> -> memref<1x128xi32, #tpu.memory_space<hbm>>
        %dma_start3A_193 = tpu.memref_squeeze %dma_start3A_192 : memref<1x128xi32, #tpu.memory_space<hbm>> -> memref<128xi32, #tpu.memory_space<hbm>>
        tpu.enqueue_dma source(%dma_start3A_193 : memref<128xi32, #tpu.memory_space<hbm>>) target(%dma_start3A_191 : memref<128xi32, #tpu.memory_space<vmem>>) target_semaphore(%run_scoped3A_183 : memref<!tpu.dma_semaphore, #tpu.memory_space<semaphore_mem>>)
        %dma_wait3A_194 = arith.constant 0 : i32
        %dma_wait3A_195 = tpu.memref_slice %arg6[%run_scoped3A_32, %dma_wait3A_194] : memref<4x128xi32, #tpu.memory_space<vmem>> -> memref<1x128xi32, #tpu.memory_space<vmem>>
        %dma_wait3A_196 = tpu.memref_squeeze %dma_wait3A_195 : memref<1x128xi32, #tpu.memory_space<vmem>> -> memref<128xi32, #tpu.memory_space<vmem>>
        %dma_wait3A_197 = tpu.memref_slice %arg2[%add3A_29, %add3A_31] : memref<50x16384xi32, #tpu.memory_space<hbm>> -> memref<1x128xi32, #tpu.memory_space<hbm>>
        %dma_wait3A_198 = tpu.memref_squeeze %dma_wait3A_197 : memref<1x128xi32, #tpu.memory_space<hbm>> -> memref<128xi32, #tpu.memory_space<hbm>>
        %dma_wait3A_199 = arith.constant 0 : i32
        %dma_wait3A_200 = tpu.memref_slice %arg6[%run_scoped3A_32, %dma_wait3A_199] : memref<4x128xi32, #tpu.memory_space<vmem>> -> memref<1x128xi32, #tpu.memory_space<vmem>>
        %dma_wait3A_201 = tpu.memref_squeeze %dma_wait3A_200 : memref<1x128xi32, #tpu.memory_space<vmem>> -> memref<128xi32, #tpu.memory_space<vmem>>
        %dma_wait3A_202 = tpu.memref_slice %arg2[%add3A_29, %add3A_31] : memref<50x16384xi32, #tpu.memory_space<hbm>> -> memref<1x128xi32, #tpu.memory_space<hbm>>
        %dma_wait3A_203 = tpu.memref_squeeze %dma_wait3A_202 : memref<1x128xi32, #tpu.memory_space<hbm>> -> memref<128xi32, #tpu.memory_space<hbm>>
        tpu.wait_dma2 semaphore(%run_scoped3A_183 : memref<!tpu.dma_semaphore, #tpu.memory_space<semaphore_mem>>) src(%dma_wait3A_203 : memref<128xi32, #tpu.memory_space<hbm>>) dst(%dma_wait3A_201 : memref<128xi32, #tpu.memory_space<vmem>>)
        tpu.yield
      }) : () -> ()
      %add3A_33 = arith.constant 384 : i32
      %add3A_34 = arith.addi %mul3A_2, %add3A_33 : i32
      %run_scoped3A_35 = arith.constant 3 : i32
      "tpu.region"() ({
        %run_scoped3A_183 = tpu.sem_alloc : memref<!tpu.dma_semaphore, #tpu.memory_space<semaphore_mem>>
        %dma_start3A_184 = arith.constant 0 : i32
        %dma_start3A_185 = tpu.memref_slice %arg5[%run_scoped3A_35, %dma_start3A_184] : memref<4x128xi32, #tpu.memory_space<vmem>> -> memref<1x128xi32, #tpu.memory_space<vmem>>
        %dma_start3A_186 = tpu.memref_squeeze %dma_start3A_185 : memref<1x128xi32, #tpu.memory_space<vmem>> -> memref<128xi32, #tpu.memory_space<vmem>>
        %dma_start3A_187 = tpu.memref_slice %arg2[%add3A_9, %add3A_34] : memref<50x16384xi32, #tpu.memory_space<hbm>> -> memref<1x128xi32, #tpu.memory_space<hbm>>
        %dma_start3A_188 = tpu.memref_squeeze %dma_start3A_187 : memref<1x128xi32, #tpu.memory_space<hbm>> -> memref<128xi32, #tpu.memory_space<hbm>>
        %dma_start3A_189 = arith.constant 0 : i32
        %dma_start3A_190 = tpu.memref_slice %arg5[%run_scoped3A_35, %dma_start3A_189] : memref<4x128xi32, #tpu.memory_space<vmem>> -> memref<1x128xi32, #tpu.memory_space<vmem>>
        %dma_start3A_191 = tpu.memref_squeeze %dma_start3A_190 : memref<1x128xi32, #tpu.memory_space<vmem>> -> memref<128xi32, #tpu.memory_space<vmem>>
        %dma_start3A_192 = tpu.memref_slice %arg2[%add3A_9, %add3A_34] : memref<50x16384xi32, #tpu.memory_space<hbm>> -> memref<1x128xi32, #tpu.memory_space<hbm>>
        %dma_start3A_193 = tpu.memref_squeeze %dma_start3A_192 : memref<1x128xi32, #tpu.memory_space<hbm>> -> memref<128xi32, #tpu.memory_space<hbm>>
        tpu.enqueue_dma source(%dma_start3A_193 : memref<128xi32, #tpu.memory_space<hbm>>) target(%dma_start3A_191 : memref<128xi32, #tpu.memory_space<vmem>>) target_semaphore(%run_scoped3A_183 : memref<!tpu.dma_semaphore, #tpu.memory_space<semaphore_mem>>)
        %dma_wait3A_194 = arith.constant 0 : i32
        %dma_wait3A_195 = tpu.memref_slice %arg5[%run_scoped3A_35, %dma_wait3A_194] : memref<4x128xi32, #tpu.memory_space<vmem>> -> memref<1x128xi32, #tpu.memory_space<vmem>>
        %dma_wait3A_196 = tpu.memref_squeeze %dma_wait3A_195 : memref<1x128xi32, #tpu.memory_space<vmem>> -> memref<128xi32, #tpu.memory_space<vmem>>
        %dma_wait3A_197 = tpu.memref_slice %arg2[%add3A_9, %add3A_34] : memref<50x16384xi32, #tpu.memory_space<hbm>> -> memref<1x128xi32, #tpu.memory_space<hbm>>
        %dma_wait3A_198 = tpu.memref_squeeze %dma_wait3A_197 : memref<1x128xi32, #tpu.memory_space<hbm>> -> memref<128xi32, #tpu.memory_space<hbm>>
        %dma_wait3A_199 = arith.constant 0 : i32
        %dma_wait3A_200 = tpu.memref_slice %arg5[%run_scoped3A_35, %dma_wait3A_199] : memref<4x128xi32, #tpu.memory_space<vmem>> -> memref<1x128xi32, #tpu.memory_space<vmem>>
        %dma_wait3A_201 = tpu.memref_squeeze %dma_wait3A_200 : memref<1x128xi32, #tpu.memory_space<vmem>> -> memref<128xi32, #tpu.memory_space<vmem>>
        %dma_wait3A_202 = tpu.memref_slice %arg2[%add3A_9, %add3A_34] : memref<50x16384xi32, #tpu.memory_space<hbm>> -> memref<1x128xi32, #tpu.memory_space<hbm>>
        %dma_wait3A_203 = tpu.memref_squeeze %dma_wait3A_202 : memref<1x128xi32, #tpu.memory_space<hbm>> -> memref<128xi32, #tpu.memory_space<hbm>>
        tpu.wait_dma2 semaphore(%run_scoped3A_183 : memref<!tpu.dma_semaphore, #tpu.memory_space<semaphore_mem>>) src(%dma_wait3A_203 : memref<128xi32, #tpu.memory_space<hbm>>) dst(%dma_wait3A_201 : memref<128xi32, #tpu.memory_space<vmem>>)
        tpu.yield
      }) : () -> ()
      %add3A_36 = arith.constant 1 : i32
      %add3A_37 = arith.addi %add3A_9, %add3A_36 : i32
      %add3A_38 = arith.constant 384 : i32
      %add3A_39 = arith.addi %mul3A_2, %add3A_38 : i32
      %run_scoped3A_40 = arith.constant 3 : i32
      "tpu.region"() ({
        %run_scoped3A_183 = tpu.sem_alloc : memref<!tpu.dma_semaphore, #tpu.memory_space<semaphore_mem>>
        %dma_start3A_184 = arith.constant 0 : i32
        %dma_start3A_185 = tpu.memref_slice %arg6[%run_scoped3A_40, %dma_start3A_184] : memref<4x128xi32, #tpu.memory_space<vmem>> -> memref<1x128xi32, #tpu.memory_space<vmem>>
        %dma_start3A_186 = tpu.memref_squeeze %dma_start3A_185 : memref<1x128xi32, #tpu.memory_space<vmem>> -> memref<128xi32, #tpu.memory_space<vmem>>
        %dma_start3A_187 = tpu.memref_slice %arg2[%add3A_37, %add3A_39] : memref<50x16384xi32, #tpu.memory_space<hbm>> -> memref<1x128xi32, #tpu.memory_space<hbm>>
        %dma_start3A_188 = tpu.memref_squeeze %dma_start3A_187 : memref<1x128xi32, #tpu.memory_space<hbm>> -> memref<128xi32, #tpu.memory_space<hbm>>
        %dma_start3A_189 = arith.constant 0 : i32
        %dma_start3A_190 = tpu.memref_slice %arg6[%run_scoped3A_40, %dma_start3A_189] : memref<4x128xi32, #tpu.memory_space<vmem>> -> memref<1x128xi32, #tpu.memory_space<vmem>>
        %dma_start3A_191 = tpu.memref_squeeze %dma_start3A_190 : memref<1x128xi32, #tpu.memory_space<vmem>> -> memref<128xi32, #tpu.memory_space<vmem>>
        %dma_start3A_192 = tpu.memref_slice %arg2[%add3A_37, %add3A_39] : memref<50x16384xi32, #tpu.memory_space<hbm>> -> memref<1x128xi32, #tpu.memory_space<hbm>>
        %dma_start3A_193 = tpu.memref_squeeze %dma_start3A_192 : memref<1x128xi32, #tpu.memory_space<hbm>> -> memref<128xi32, #tpu.memory_space<hbm>>
        tpu.enqueue_dma source(%dma_start3A_193 : memref<128xi32, #tpu.memory_space<hbm>>) target(%dma_start3A_191 : memref<128xi32, #tpu.memory_space<vmem>>) target_semaphore(%run_scoped3A_183 : memref<!tpu.dma_semaphore, #tpu.memory_space<semaphore_mem>>)
        %dma_wait3A_194 = arith.constant 0 : i32
        %dma_wait3A_195 = tpu.memref_slice %arg6[%run_scoped3A_40, %dma_wait3A_194] : memref<4x128xi32, #tpu.memory_space<vmem>> -> memref<1x128xi32, #tpu.memory_space<vmem>>
        %dma_wait3A_196 = tpu.memref_squeeze %dma_wait3A_195 : memref<1x128xi32, #tpu.memory_space<vmem>> -> memref<128xi32, #tpu.memory_space<vmem>>
        %dma_wait3A_197 = tpu.memref_slice %arg2[%add3A_37, %add3A_39] : memref<50x16384xi32, #tpu.memory_space<hbm>> -> memref<1x128xi32, #tpu.memory_space<hbm>>
        %dma_wait3A_198 = tpu.memref_squeeze %dma_wait3A_197 : memref<1x128xi32, #tpu.memory_space<hbm>> -> memref<128xi32, #tpu.memory_space<hbm>>
        %dma_wait3A_199 = arith.constant 0 : i32
        %dma_wait3A_200 = tpu.memref_slice %arg6[%run_scoped3A_40, %dma_wait3A_199] : memref<4x128xi32, #tpu.memory_space<vmem>> -> memref<1x128xi32, #tpu.memory_space<vmem>>
        %dma_wait3A_201 = tpu.memref_squeeze %dma_wait3A_200 : memref<1x128xi32, #tpu.memory_space<vmem>> -> memref<128xi32, #tpu.memory_space<vmem>>
        %dma_wait3A_202 = tpu.memref_slice %arg2[%add3A_37, %add3A_39] : memref<50x16384xi32, #tpu.memory_space<hbm>> -> memref<1x128xi32, #tpu.memory_space<hbm>>
        %dma_wait3A_203 = tpu.memref_squeeze %dma_wait3A_202 : memref<1x128xi32, #tpu.memory_space<hbm>> -> memref<128xi32, #tpu.memory_space<hbm>>
        tpu.wait_dma2 semaphore(%run_scoped3A_183 : memref<!tpu.dma_semaphore, #tpu.memory_space<semaphore_mem>>) src(%dma_wait3A_203 : memref<128xi32, #tpu.memory_space<hbm>>) dst(%dma_wait3A_201 : memref<128xi32, #tpu.memory_space<vmem>>)
        tpu.yield
      }) : () -> ()
      %dma_start3A = arith.constant 0 : i32
      %dma_start3A_41 = arith.constant 0 : i32
      %dma_start3A_42 = tpu.memref_slice %arg5[%dma_start3A, %dma_start3A_41] : memref<4x128xi32, #tpu.memory_space<vmem>> -> memref<1x128xi32, #tpu.memory_space<vmem>>
      %dma_start3A_43 = tpu.memref_squeeze %dma_start3A_42 : memref<1x128xi32, #tpu.memory_space<vmem>> -> memref<128xi32, #tpu.memory_space<vmem>>
      %dma_start3A_44 = arith.constant 0 : i32
      %dma_start3A_45 = arith.constant 0 : i32
      %dma_start3A_46 = tpu.memref_slice %arg3[%dma_start3A_44, %dma_start3A_45] : memref<1000000x128xf32, #tpu.memory_space<hbm>> -> memref<1000000x128xf32, #tpu.memory_space<hbm>>
      tpu.enqueue_indirect_dma source(%dma_start3A_46 : memref<1000000x128xf32, #tpu.memory_space<hbm>>) target(%arg7 : memref<128x128xf32, #tpu.memory_space<vmem>>) offsets(%dma_start3A_43 : memref<128xi32, #tpu.memory_space<vmem>>) semaphore(%arg10 : memref<!tpu.dma_semaphore, #tpu.memory_space<semaphore_mem>>)
      %dma_start3A_47 = arith.constant 0 : i32
      %dma_start3A_48 = arith.constant 0 : i32
      %dma_start3A_49 = tpu.memref_slice %arg6[%dma_start3A_47, %dma_start3A_48] : memref<4x128xi32, #tpu.memory_space<vmem>> -> memref<1x128xi32, #tpu.memory_space<vmem>>
      %dma_start3A_50 = tpu.memref_squeeze %dma_start3A_49 : memref<1x128xi32, #tpu.memory_space<vmem>> -> memref<128xi32, #tpu.memory_space<vmem>>
      %dma_start3A_51 = arith.constant 0 : i32
      %dma_start3A_52 = arith.constant 0 : i32
      %dma_start3A_53 = tpu.memref_slice %arg3[%dma_start3A_51, %dma_start3A_52] : memref<1000000x128xf32, #tpu.memory_space<hbm>> -> memref<1000000x128xf32, #tpu.memory_space<hbm>>
      tpu.enqueue_indirect_dma source(%dma_start3A_53 : memref<1000000x128xf32, #tpu.memory_space<hbm>>) target(%arg8 : memref<128x128xf32, #tpu.memory_space<vmem>>) offsets(%dma_start3A_50 : memref<128xi32, #tpu.memory_space<vmem>>) semaphore(%arg10 : memref<!tpu.dma_semaphore, #tpu.memory_space<semaphore_mem>>)
      %dma_wait3A = arith.constant 0 : i32
      %dma_wait3A_54 = arith.constant 0 : i32
      %dma_wait3A_55 = tpu.memref_slice %arg6[%dma_wait3A, %dma_wait3A_54] : memref<4x128xi32, #tpu.memory_space<vmem>> -> memref<1x128xi32, #tpu.memory_space<vmem>>
      %dma_wait3A_56 = tpu.memref_squeeze %dma_wait3A_55 : memref<1x128xi32, #tpu.memory_space<vmem>> -> memref<128xi32, #tpu.memory_space<vmem>>
      %dma_wait3A_57 = arith.constant 0 : i32
      %dma_wait3A_58 = arith.constant 0 : i32
      %dma_wait3A_59 = tpu.memref_slice %arg3[%dma_wait3A_57, %dma_wait3A_58] : memref<1000000x128xf32, #tpu.memory_space<hbm>> -> memref<1000000x128xf32, #tpu.memory_space<hbm>>
      tpu.wait_indirect_dma semaphore(%arg10 : memref<!tpu.dma_semaphore, #tpu.memory_space<semaphore_mem>>) src(%dma_wait3A_59 : memref<1000000x128xf32, #tpu.memory_space<hbm>>) dst(%arg8 : memref<128x128xf32, #tpu.memory_space<vmem>>)
      %dma_wait3A_60 = arith.constant 0 : i32
      %dma_wait3A_61 = arith.constant 0 : i32
      %dma_wait3A_62 = tpu.memref_slice %arg6[%dma_wait3A_60, %dma_wait3A_61] : memref<4x128xi32, #tpu.memory_space<vmem>> -> memref<1x128xi32, #tpu.memory_space<vmem>>
      %dma_wait3A_63 = tpu.memref_squeeze %dma_wait3A_62 : memref<1x128xi32, #tpu.memory_space<vmem>> -> memref<128xi32, #tpu.memory_space<vmem>>
      %dma_wait3A_64 = arith.constant 0 : i32
      %dma_wait3A_65 = arith.constant 0 : i32
      %dma_wait3A_66 = tpu.memref_slice %arg3[%dma_wait3A_64, %dma_wait3A_65] : memref<1000000x128xf32, #tpu.memory_space<hbm>> -> memref<1000000x128xf32, #tpu.memory_space<hbm>>
      tpu.wait_indirect_dma semaphore(%arg10 : memref<!tpu.dma_semaphore, #tpu.memory_space<semaphore_mem>>) src(%dma_wait3A_66 : memref<1000000x128xf32, #tpu.memory_space<hbm>>) dst(%arg8 : memref<128x128xf32, #tpu.memory_space<vmem>>)
      %scan3A_67 = arith.constant 0 : i32
      %scan3A_68 = arith.constant 0 : i32
      %scan3A_69 = arith.constant 128 : i32
      %scan3A_70 = arith.addi %scan3A_68, %scan3A_69 : i32
      %scan3A_71 = arith.constant 1 : i32
      scf.for %scan3A_183 = %scan3A_68 to %scan3A_70 step %scan3A_71  : i32 {
        %get3A = arith.index_cast %scan3A_183 : i32 to index
        %get3A_184 = arith.constant 0 : index
        %get3A_185 = tpu.vector_load %arg7[%get3A, %get3A_184] {strides = array<i32>} : memref<128x128xf32, #tpu.memory_space<vmem>>, vector<1x16xf32>,
        %get3A_186 = vector.shape_cast %get3A_185 : vector<1x16xf32> to vector<16xf32>
        %swap3A = arith.index_cast %scan3A_183 : i32 to index
        %swap3A_187 = arith.constant 0 : index
        %swap3A_188 = tpu.vector_load %arg9[%swap3A, %swap3A_187] {strides = array<i32>} : memref<128x128xf32, #tpu.memory_space<vmem>>, vector<1x16xf32>,
        %swap3A_189 = vector.shape_cast %swap3A_188 : vector<1x16xf32> to vector<16xf32>
        %swap3A_190 = vector.shape_cast %get3A_186 : vector<16xf32> to vector<1x16xf32>
        tpu.vector_store %arg9[%swap3A, %swap3A_187], %swap3A_190 {strides = array<i32>} : memref<128x128xf32, #tpu.memory_space<vmem>>, vector<1x16xf32>,
        %get3A_191 = arith.index_cast %scan3A_183 : i32 to index
        %get3A_192 = arith.constant 0 : index
        %get3A_193 = tpu.vector_load %arg8[%get3A_191, %get3A_192] {strides = array<i32>} : memref<128x128xf32, #tpu.memory_space<vmem>>, vector<1x16xf32>,
        %get3A_194 = vector.shape_cast %get3A_193 : vector<1x16xf32> to vector<16xf32>
        %swap3A_195 = arith.index_cast %scan3A_183 : i32 to index
        %swap3A_196 = arith.constant 64 : index
        %swap3A_197 = tpu.vector_load %arg9[%swap3A_195, %swap3A_196] {strides = array<i32>} : memref<128x128xf32, #tpu.memory_space<vmem>>, vector<1x16xf32>,
        %swap3A_198 = vector.shape_cast %swap3A_197 : vector<1x16xf32> to vector<16xf32>
        %swap3A_199 = vector.shape_cast %get3A_194 : vector<16xf32> to vector<1x16xf32>
        tpu.vector_store %arg9[%swap3A_195, %swap3A_196], %swap3A_199 {strides = array<i32>} : memref<128x128xf32, #tpu.memory_space<vmem>>, vector<1x16xf32>,
        %get3A_200 = arith.index_cast %scan3A_183 : i32 to index
        %get3A_201 = arith.constant 16 : index
        %get3A_202 = tpu.vector_load %arg7[%get3A_200, %get3A_201] {strides = array<i32>} : memref<128x128xf32, #tpu.memory_space<vmem>>, vector<1x16xf32>,
        %get3A_203 = vector.shape_cast %get3A_202 : vector<1x16xf32> to vector<16xf32>
        %swap3A_204 = arith.index_cast %scan3A_183 : i32 to index
        %swap3A_205 = arith.constant 16 : index
        %swap3A_206 = tpu.vector_load %arg9[%swap3A_204, %swap3A_205] {strides = array<i32>} : memref<128x128xf32, #tpu.memory_space<vmem>>, vector<1x16xf32>,
        %swap3A_207 = vector.shape_cast %swap3A_206 : vector<1x16xf32> to vector<16xf32>
        %swap3A_208 = vector.shape_cast %get3A_203 : vector<16xf32> to vector<1x16xf32>
        tpu.vector_store %arg9[%swap3A_204, %swap3A_205], %swap3A_208 {strides = array<i32>} : memref<128x128xf32, #tpu.memory_space<vmem>>, vector<1x16xf32>,
        %get3A_209 = arith.index_cast %scan3A_183 : i32 to index
        %get3A_210 = arith.constant 16 : index
        %get3A_211 = tpu.vector_load %arg8[%get3A_209, %get3A_210] {strides = array<i32>} : memref<128x128xf32, #tpu.memory_space<vmem>>, vector<1x16xf32>,
        %get3A_212 = vector.shape_cast %get3A_211 : vector<1x16xf32> to vector<16xf32>
        %swap3A_213 = arith.index_cast %scan3A_183 : i32 to index
        %swap3A_214 = arith.constant 80 : index
        %swap3A_215 = tpu.vector_load %arg9[%swap3A_213, %swap3A_214] {strides = array<i32>} : memref<128x128xf32, #tpu.memory_space<vmem>>, vector<1x16xf32>,
        %swap3A_216 = vector.shape_cast %swap3A_215 : vector<1x16xf32> to vector<16xf32>
        %swap3A_217 = vector.shape_cast %get3A_212 : vector<16xf32> to vector<1x16xf32>
        tpu.vector_store %arg9[%swap3A_213, %swap3A_214], %swap3A_217 {strides = array<i32>} : memref<128x128xf32, #tpu.memory_space<vmem>>, vector<1x16xf32>,
        %get3A_218 = arith.index_cast %scan3A_183 : i32 to index
        %get3A_219 = arith.constant 32 : index
        %get3A_220 = tpu.vector_load %arg7[%get3A_218, %get3A_219] {strides = array<i32>} : memref<128x128xf32, #tpu.memory_space<vmem>>, vector<1x16xf32>,
        %get3A_221 = vector.shape_cast %get3A_220 : vector<1x16xf32> to vector<16xf32>
        %swap3A_222 = arith.index_cast %scan3A_183 : i32 to index
        %swap3A_223 = arith.constant 32 : index
        %swap3A_224 = tpu.vector_load %arg9[%swap3A_222, %swap3A_223] {strides = array<i32>} : memref<128x128xf32, #tpu.memory_space<vmem>>, vector<1x16xf32>,
        %swap3A_225 = vector.shape_cast %swap3A_224 : vector<1x16xf32> to vector<16xf32>
        %swap3A_226 = vector.shape_cast %get3A_221 : vector<16xf32> to vector<1x16xf32>
        tpu.vector_store %arg9[%swap3A_222, %swap3A_223], %swap3A_226 {strides = array<i32>} : memref<128x128xf32, #tpu.memory_space<vmem>>, vector<1x16xf32>,
        %get3A_227 = arith.index_cast %scan3A_183 : i32 to index
        %get3A_228 = arith.constant 32 : index
        %get3A_229 = tpu.vector_load %arg8[%get3A_227, %get3A_228] {strides = array<i32>} : memref<128x128xf32, #tpu.memory_space<vmem>>, vector<1x16xf32>,
        %get3A_230 = vector.shape_cast %get3A_229 : vector<1x16xf32> to vector<16xf32>
        %swap3A_231 = arith.index_cast %scan3A_183 : i32 to index
        %swap3A_232 = arith.constant 96 : index
        %swap3A_233 = tpu.vector_load %arg9[%swap3A_231, %swap3A_232] {strides = array<i32>} : memref<128x128xf32, #tpu.memory_space<vmem>>, vector<1x16xf32>,
        %swap3A_234 = vector.shape_cast %swap3A_233 : vector<1x16xf32> to vector<16xf32>
        %swap3A_235 = vector.shape_cast %get3A_230 : vector<16xf32> to vector<1x16xf32>
        tpu.vector_store %arg9[%swap3A_231, %swap3A_232], %swap3A_235 {strides = array<i32>} : memref<128x128xf32, #tpu.memory_space<vmem>>, vector<1x16xf32>,
        %get3A_236 = arith.index_cast %scan3A_183 : i32 to index
        %get3A_237 = arith.constant 48 : index
        %get3A_238 = tpu.vector_load %arg7[%get3A_236, %get3A_237] {strides = array<i32>} : memref<128x128xf32, #tpu.memory_space<vmem>>, vector<1x16xf32>,
        %get3A_239 = vector.shape_cast %get3A_238 : vector<1x16xf32> to vector<16xf32>
        %swap3A_240 = arith.index_cast %scan3A_183 : i32 to index
        %swap3A_241 = arith.constant 48 : index
        %swap3A_242 = tpu.vector_load %arg9[%swap3A_240, %swap3A_241] {strides = array<i32>} : memref<128x128xf32, #tpu.memory_space<vmem>>, vector<1x16xf32>,
        %swap3A_243 = vector.shape_cast %swap3A_242 : vector<1x16xf32> to vector<16xf32>
        %swap3A_244 = vector.shape_cast %get3A_239 : vector<16xf32> to vector<1x16xf32>
        tpu.vector_store %arg9[%swap3A_240, %swap3A_241], %swap3A_244 {strides = array<i32>} : memref<128x128xf32, #tpu.memory_space<vmem>>, vector<1x16xf32>,
        %get3A_245 = arith.index_cast %scan3A_183 : i32 to index
        %get3A_246 = arith.constant 48 : index
        %get3A_247 = tpu.vector_load %arg8[%get3A_245, %get3A_246] {strides = array<i32>} : memref<128x128xf32, #tpu.memory_space<vmem>>, vector<1x16xf32>,
        %get3A_248 = vector.shape_cast %get3A_247 : vector<1x16xf32> to vector<16xf32>
        %swap3A_249 = arith.index_cast %scan3A_183 : i32 to index
        %swap3A_250 = arith.constant 112 : index
        %swap3A_251 = tpu.vector_load %arg9[%swap3A_249, %swap3A_250] {strides = array<i32>} : memref<128x128xf32, #tpu.memory_space<vmem>>, vector<1x16xf32>,
        %swap3A_252 = vector.shape_cast %swap3A_251 : vector<1x16xf32> to vector<16xf32>
        %swap3A_253 = vector.shape_cast %get3A_248 : vector<16xf32> to vector<1x16xf32>
        tpu.vector_store %arg9[%swap3A_249, %swap3A_250], %swap3A_253 {strides = array<i32>} : memref<128x128xf32, #tpu.memory_space<vmem>>, vector<1x16xf32>,
      }
      %scan3A_72 = arith.constant 128 : i32
      %add3A_73 = arith.constant 0 : i32
      %add3A_74 = arith.addi %mul3A_2, %add3A_73 : i32
      "tpu.region"() ({
        %run_scoped3A_183 = tpu.sem_alloc : memref<!tpu.dma_semaphore, #tpu.memory_space<semaphore_mem>>
        %dma_start3A_184 = arith.constant 0 : i32
        %dma_start3A_185 = tpu.memref_slice %arg4[%scan3A_8, %add3A_74, %dma_start3A_184] : memref<25x16384x128xf32, #tpu.memory_space<hbm>> -> memref<1x128x128xf32, #tpu.memory_space<hbm>>
        %dma_start3A_186 = tpu.memref_squeeze %dma_start3A_185 : memref<1x128x128xf32, #tpu.memory_space<hbm>> -> memref<128x128xf32, #tpu.memory_space<hbm>>
        %dma_start3A_187 = arith.constant 0 : i32
        %dma_start3A_188 = tpu.memref_slice %arg4[%scan3A_8, %add3A_74, %dma_start3A_187] : memref<25x16384x128xf32, #tpu.memory_space<hbm>> -> memref<1x128x128xf32, #tpu.memory_space<hbm>>
        %dma_start3A_189 = tpu.memref_squeeze %dma_start3A_188 : memref<1x128x128xf32, #tpu.memory_space<hbm>> -> memref<128x128xf32, #tpu.memory_space<hbm>>
        tpu.enqueue_dma source(%arg9 : memref<128x128xf32, #tpu.memory_space<vmem>>) target(%dma_start3A_189 : memref<128x128xf32, #tpu.memory_space<hbm>>) target_semaphore(%run_scoped3A_183 : memref<!tpu.dma_semaphore, #tpu.memory_space<semaphore_mem>>)
        %dma_wait3A_190 = arith.constant 0 : i32
        %dma_wait3A_191 = tpu.memref_slice %arg4[%scan3A_8, %add3A_74, %dma_wait3A_190] : memref<25x16384x128xf32, #tpu.memory_space<hbm>> -> memref<1x128x128xf32, #tpu.memory_space<hbm>>
        %dma_wait3A_192 = tpu.memref_squeeze %dma_wait3A_191 : memref<1x128x128xf32, #tpu.memory_space<hbm>> -> memref<128x128xf32, #tpu.memory_space<hbm>>
        %dma_wait3A_193 = arith.constant 0 : i32
        %dma_wait3A_194 = tpu.memref_slice %arg4[%scan3A_8, %add3A_74, %dma_wait3A_193] : memref<25x16384x128xf32, #tpu.memory_space<hbm>> -> memref<1x128x128xf32, #tpu.memory_space<hbm>>
        %dma_wait3A_195 = tpu.memref_squeeze %dma_wait3A_194 : memref<1x128x128xf32, #tpu.memory_space<hbm>> -> memref<128x128xf32, #tpu.memory_space<hbm>>
        tpu.wait_dma2 semaphore(%run_scoped3A_183 : memref<!tpu.dma_semaphore, #tpu.memory_space<semaphore_mem>>) src(%arg9 : memref<128x128xf32, #tpu.memory_space<vmem>>) dst(%dma_wait3A_195 : memref<128x128xf32, #tpu.memory_space<hbm>>)
        tpu.yield
      }) : () -> ()
      %dma_start3A_75 = arith.constant 1 : i32
      %dma_start3A_76 = arith.constant 0 : i32
      %dma_start3A_77 = tpu.memref_slice %arg5[%dma_start3A_75, %dma_start3A_76] : memref<4x128xi32, #tpu.memory_space<vmem>> -> memref<1x128xi32, #tpu.memory_space<vmem>>
      %dma_start3A_78 = tpu.memref_squeeze %dma_start3A_77 : memref<1x128xi32, #tpu.memory_space<vmem>> -> memref<128xi32, #tpu.memory_space<vmem>>
      %dma_start3A_79 = arith.constant 0 : i32
      %dma_start3A_80 = arith.constant 0 : i32
      %dma_start3A_81 = tpu.memref_slice %arg3[%dma_start3A_79, %dma_start3A_80] : memref<1000000x128xf32, #tpu.memory_space<hbm>> -> memref<1000000x128xf32, #tpu.memory_space<hbm>>
      tpu.enqueue_indirect_dma source(%dma_start3A_81 : memref<1000000x128xf32, #tpu.memory_space<hbm>>) target(%arg7 : memref<128x128xf32, #tpu.memory_space<vmem>>) offsets(%dma_start3A_78 : memref<128xi32, #tpu.memory_space<vmem>>) semaphore(%arg10 : memref<!tpu.dma_semaphore, #tpu.memory_space<semaphore_mem>>)
      %dma_start3A_82 = arith.constant 1 : i32
      %dma_start3A_83 = arith.constant 0 : i32
      %dma_start3A_84 = tpu.memref_slice %arg6[%dma_start3A_82, %dma_start3A_83] : memref<4x128xi32, #tpu.memory_space<vmem>> -> memref<1x128xi32, #tpu.memory_space<vmem>>
      %dma_start3A_85 = tpu.memref_squeeze %dma_start3A_84 : memref<1x128xi32, #tpu.memory_space<vmem>> -> memref<128xi32, #tpu.memory_space<vmem>>
      %dma_start3A_86 = arith.constant 0 : i32
      %dma_start3A_87 = arith.constant 0 : i32
      %dma_start3A_88 = tpu.memref_slice %arg3[%dma_start3A_86, %dma_start3A_87] : memref<1000000x128xf32, #tpu.memory_space<hbm>> -> memref<1000000x128xf32, #tpu.memory_space<hbm>>
      tpu.enqueue_indirect_dma source(%dma_start3A_88 : memref<1000000x128xf32, #tpu.memory_space<hbm>>) target(%arg8 : memref<128x128xf32, #tpu.memory_space<vmem>>) offsets(%dma_start3A_85 : memref<128xi32, #tpu.memory_space<vmem>>) semaphore(%arg10 : memref<!tpu.dma_semaphore, #tpu.memory_space<semaphore_mem>>)
      %dma_wait3A_89 = arith.constant 1 : i32
      %dma_wait3A_90 = arith.constant 0 : i32
      %dma_wait3A_91 = tpu.memref_slice %arg6[%dma_wait3A_89, %dma_wait3A_90] : memref<4x128xi32, #tpu.memory_space<vmem>> -> memref<1x128xi32, #tpu.memory_space<vmem>>
      %dma_wait3A_92 = tpu.memref_squeeze %dma_wait3A_91 : memref<1x128xi32, #tpu.memory_space<vmem>> -> memref<128xi32, #tpu.memory_space<vmem>>
      %dma_wait3A_93 = arith.constant 0 : i32
      %dma_wait3A_94 = arith.constant 0 : i32
      %dma_wait3A_95 = tpu.memref_slice %arg3[%dma_wait3A_93, %dma_wait3A_94] : memref<1000000x128xf32, #tpu.memory_space<hbm>> -> memref<1000000x128xf32, #tpu.memory_space<hbm>>
      tpu.wait_indirect_dma semaphore(%arg10 : memref<!tpu.dma_semaphore, #tpu.memory_space<semaphore_mem>>) src(%dma_wait3A_95 : memref<1000000x128xf32, #tpu.memory_space<hbm>>) dst(%arg8 : memref<128x128xf32, #tpu.memory_space<vmem>>)
      %dma_wait3A_96 = arith.constant 1 : i32
      %dma_wait3A_97 = arith.constant 0 : i32
      %dma_wait3A_98 = tpu.memref_slice %arg6[%dma_wait3A_96, %dma_wait3A_97] : memref<4x128xi32, #tpu.memory_space<vmem>> -> memref<1x128xi32, #tpu.memory_space<vmem>>
      %dma_wait3A_99 = tpu.memref_squeeze %dma_wait3A_98 : memref<1x128xi32, #tpu.memory_space<vmem>> -> memref<128xi32, #tpu.memory_space<vmem>>
      %dma_wait3A_100 = arith.constant 0 : i32
      %dma_wait3A_101 = arith.constant 0 : i32
      %dma_wait3A_102 = tpu.memref_slice %arg3[%dma_wait3A_100, %dma_wait3A_101] : memref<1000000x128xf32, #tpu.memory_space<hbm>> -> memref<1000000x128xf32, #tpu.memory_space<hbm>>
      tpu.wait_indirect_dma semaphore(%arg10 : memref<!tpu.dma_semaphore, #tpu.memory_space<semaphore_mem>>) src(%dma_wait3A_102 : memref<1000000x128xf32, #tpu.memory_space<hbm>>) dst(%arg8 : memref<128x128xf32, #tpu.memory_space<vmem>>)
      %scan3A_103 = arith.constant 0 : i32
      %scan3A_104 = arith.constant 0 : i32
      %scan3A_105 = arith.constant 128 : i32
      %scan3A_106 = arith.addi %scan3A_104, %scan3A_105 : i32
      %scan3A_107 = arith.constant 1 : i32
      scf.for %scan3A_183 = %scan3A_104 to %scan3A_106 step %scan3A_107  : i32 {
        %get3A = arith.index_cast %scan3A_183 : i32 to index
        %get3A_184 = arith.constant 0 : index
        %get3A_185 = tpu.vector_load %arg7[%get3A, %get3A_184] {strides = array<i32>} : memref<128x128xf32, #tpu.memory_space<vmem>>, vector<1x16xf32>,
        %get3A_186 = vector.shape_cast %get3A_185 : vector<1x16xf32> to vector<16xf32>
        %swap3A = arith.index_cast %scan3A_183 : i32 to index
        %swap3A_187 = arith.constant 0 : index
        %swap3A_188 = tpu.vector_load %arg9[%swap3A, %swap3A_187] {strides = array<i32>} : memref<128x128xf32, #tpu.memory_space<vmem>>, vector<1x16xf32>,
        %swap3A_189 = vector.shape_cast %swap3A_188 : vector<1x16xf32> to vector<16xf32>
        %swap3A_190 = vector.shape_cast %get3A_186 : vector<16xf32> to vector<1x16xf32>
        tpu.vector_store %arg9[%swap3A, %swap3A_187], %swap3A_190 {strides = array<i32>} : memref<128x128xf32, #tpu.memory_space<vmem>>, vector<1x16xf32>,
        %get3A_191 = arith.index_cast %scan3A_183 : i32 to index
        %get3A_192 = arith.constant 0 : index
        %get3A_193 = tpu.vector_load %arg8[%get3A_191, %get3A_192] {strides = array<i32>} : memref<128x128xf32, #tpu.memory_space<vmem>>, vector<1x16xf32>,
        %get3A_194 = vector.shape_cast %get3A_193 : vector<1x16xf32> to vector<16xf32>
        %swap3A_195 = arith.index_cast %scan3A_183 : i32 to index
        %swap3A_196 = arith.constant 64 : index
        %swap3A_197 = tpu.vector_load %arg9[%swap3A_195, %swap3A_196] {strides = array<i32>} : memref<128x128xf32, #tpu.memory_space<vmem>>, vector<1x16xf32>,
        %swap3A_198 = vector.shape_cast %swap3A_197 : vector<1x16xf32> to vector<16xf32>
        %swap3A_199 = vector.shape_cast %get3A_194 : vector<16xf32> to vector<1x16xf32>
        tpu.vector_store %arg9[%swap3A_195, %swap3A_196], %swap3A_199 {strides = array<i32>} : memref<128x128xf32, #tpu.memory_space<vmem>>, vector<1x16xf32>,
        %get3A_200 = arith.index_cast %scan3A_183 : i32 to index
        %get3A_201 = arith.constant 16 : index
        %get3A_202 = tpu.vector_load %arg7[%get3A_200, %get3A_201] {strides = array<i32>} : memref<128x128xf32, #tpu.memory_space<vmem>>, vector<1x16xf32>,
        %get3A_203 = vector.shape_cast %get3A_202 : vector<1x16xf32> to vector<16xf32>
        %swap3A_204 = arith.index_cast %scan3A_183 : i32 to index
        %swap3A_205 = arith.constant 16 : index
        %swap3A_206 = tpu.vector_load %arg9[%swap3A_204, %swap3A_205] {strides = array<i32>} : memref<128x128xf32, #tpu.memory_space<vmem>>, vector<1x16xf32>,
        %swap3A_207 = vector.shape_cast %swap3A_206 : vector<1x16xf32> to vector<16xf32>
        %swap3A_208 = vector.shape_cast %get3A_203 : vector<16xf32> to vector<1x16xf32>
        tpu.vector_store %arg9[%swap3A_204, %swap3A_205], %swap3A_208 {strides = array<i32>} : memref<128x128xf32, #tpu.memory_space<vmem>>, vector<1x16xf32>,
        %get3A_209 = arith.index_cast %scan3A_183 : i32 to index
        %get3A_210 = arith.constant 16 : index
        %get3A_211 = tpu.vector_load %arg8[%get3A_209, %get3A_210] {strides = array<i32>} : memref<128x128xf32, #tpu.memory_space<vmem>>, vector<1x16xf32>,
        %get3A_212 = vector.shape_cast %get3A_211 : vector<1x16xf32> to vector<16xf32>
        %swap3A_213 = arith.index_cast %scan3A_183 : i32 to index
        %swap3A_214 = arith.constant 80 : index
        %swap3A_215 = tpu.vector_load %arg9[%swap3A_213, %swap3A_214] {strides = array<i32>} : memref<128x128xf32, #tpu.memory_space<vmem>>, vector<1x16xf32>,
        %swap3A_216 = vector.shape_cast %swap3A_215 : vector<1x16xf32> to vector<16xf32>
        %swap3A_217 = vector.shape_cast %get3A_212 : vector<16xf32> to vector<1x16xf32>
        tpu.vector_store %arg9[%swap3A_213, %swap3A_214], %swap3A_217 {strides = array<i32>} : memref<128x128xf32, #tpu.memory_space<vmem>>, vector<1x16xf32>,
        %get3A_218 = arith.index_cast %scan3A_183 : i32 to index
        %get3A_219 = arith.constant 32 : index
        %get3A_220 = tpu.vector_load %arg7[%get3A_218, %get3A_219] {strides = array<i32>} : memref<128x128xf32, #tpu.memory_space<vmem>>, vector<1x16xf32>,
        %get3A_221 = vector.shape_cast %get3A_220 : vector<1x16xf32> to vector<16xf32>
        %swap3A_222 = arith.index_cast %scan3A_183 : i32 to index
        %swap3A_223 = arith.constant 32 : index
        %swap3A_224 = tpu.vector_load %arg9[%swap3A_222, %swap3A_223] {strides = array<i32>} : memref<128x128xf32, #tpu.memory_space<vmem>>, vector<1x16xf32>,
        %swap3A_225 = vector.shape_cast %swap3A_224 : vector<1x16xf32> to vector<16xf32>
        %swap3A_226 = vector.shape_cast %get3A_221 : vector<16xf32> to vector<1x16xf32>
        tpu.vector_store %arg9[%swap3A_222, %swap3A_223], %swap3A_226 {strides = array<i32>} : memref<128x128xf32, #tpu.memory_space<vmem>>, vector<1x16xf32>,
        %get3A_227 = arith.index_cast %scan3A_183 : i32 to index
        %get3A_228 = arith.constant 32 : index
        %get3A_229 = tpu.vector_load %arg8[%get3A_227, %get3A_228] {strides = array<i32>} : memref<128x128xf32, #tpu.memory_space<vmem>>, vector<1x16xf32>,
        %get3A_230 = vector.shape_cast %get3A_229 : vector<1x16xf32> to vector<16xf32>
        %swap3A_231 = arith.index_cast %scan3A_183 : i32 to index
        %swap3A_232 = arith.constant 96 : index
        %swap3A_233 = tpu.vector_load %arg9[%swap3A_231, %swap3A_232] {strides = array<i32>} : memref<128x128xf32, #tpu.memory_space<vmem>>, vector<1x16xf32>,
        %swap3A_234 = vector.shape_cast %swap3A_233 : vector<1x16xf32> to vector<16xf32>
        %swap3A_235 = vector.shape_cast %get3A_230 : vector<16xf32> to vector<1x16xf32>
        tpu.vector_store %arg9[%swap3A_231, %swap3A_232], %swap3A_235 {strides = array<i32>} : memref<128x128xf32, #tpu.memory_space<vmem>>, vector<1x16xf32>,
        %get3A_236 = arith.index_cast %scan3A_183 : i32 to index
        %get3A_237 = arith.constant 48 : index
        %get3A_238 = tpu.vector_load %arg7[%get3A_236, %get3A_237] {strides = array<i32>} : memref<128x128xf32, #tpu.memory_space<vmem>>, vector<1x16xf32>,
        %get3A_239 = vector.shape_cast %get3A_238 : vector<1x16xf32> to vector<16xf32>
        %swap3A_240 = arith.index_cast %scan3A_183 : i32 to index
        %swap3A_241 = arith.constant 48 : index
        %swap3A_242 = tpu.vector_load %arg9[%swap3A_240, %swap3A_241] {strides = array<i32>} : memref<128x128xf32, #tpu.memory_space<vmem>>, vector<1x16xf32>,
        %swap3A_243 = vector.shape_cast %swap3A_242 : vector<1x16xf32> to vector<16xf32>
        %swap3A_244 = vector.shape_cast %get3A_239 : vector<16xf32> to vector<1x16xf32>
        tpu.vector_store %arg9[%swap3A_240, %swap3A_241], %swap3A_244 {strides = array<i32>} : memref<128x128xf32, #tpu.memory_space<vmem>>, vector<1x16xf32>,
        %get3A_245 = arith.index_cast %scan3A_183 : i32 to index
        %get3A_246 = arith.constant 48 : index
        %get3A_247 = tpu.vector_load %arg8[%get3A_245, %get3A_246] {strides = array<i32>} : memref<128x128xf32, #tpu.memory_space<vmem>>, vector<1x16xf32>,
        %get3A_248 = vector.shape_cast %get3A_247 : vector<1x16xf32> to vector<16xf32>
        %swap3A_249 = arith.index_cast %scan3A_183 : i32 to index
        %swap3A_250 = arith.constant 112 : index
        %swap3A_251 = tpu.vector_load %arg9[%swap3A_249, %swap3A_250] {strides = array<i32>} : memref<128x128xf32, #tpu.memory_space<vmem>>, vector<1x16xf32>,
        %swap3A_252 = vector.shape_cast %swap3A_251 : vector<1x16xf32> to vector<16xf32>
        %swap3A_253 = vector.shape_cast %get3A_248 : vector<16xf32> to vector<1x16xf32>
        tpu.vector_store %arg9[%swap3A_249, %swap3A_250], %swap3A_253 {strides = array<i32>} : memref<128x128xf32, #tpu.memory_space<vmem>>, vector<1x16xf32>,
      }
      %scan3A_108 = arith.constant 128 : i32
      %add3A_109 = arith.constant 128 : i32
      %add3A_110 = arith.addi %mul3A_2, %add3A_109 : i32
      "tpu.region"() ({
        %run_scoped3A_183 = tpu.sem_alloc : memref<!tpu.dma_semaphore, #tpu.memory_space<semaphore_mem>>
        %dma_start3A_184 = arith.constant 0 : i32
        %dma_start3A_185 = tpu.memref_slice %arg4[%scan3A_8, %add3A_110, %dma_start3A_184] : memref<25x16384x128xf32, #tpu.memory_space<hbm>> -> memref<1x128x128xf32, #tpu.memory_space<hbm>>
        %dma_start3A_186 = tpu.memref_squeeze %dma_start3A_185 : memref<1x128x128xf32, #tpu.memory_space<hbm>> -> memref<128x128xf32, #tpu.memory_space<hbm>>
        %dma_start3A_187 = arith.constant 0 : i32
        %dma_start3A_188 = tpu.memref_slice %arg4[%scan3A_8, %add3A_110, %dma_start3A_187] : memref<25x16384x128xf32, #tpu.memory_space<hbm>> -> memref<1x128x128xf32, #tpu.memory_space<hbm>>
        %dma_start3A_189 = tpu.memref_squeeze %dma_start3A_188 : memref<1x128x128xf32, #tpu.memory_space<hbm>> -> memref<128x128xf32, #tpu.memory_space<hbm>>
        tpu.enqueue_dma source(%arg9 : memref<128x128xf32, #tpu.memory_space<vmem>>) target(%dma_start3A_189 : memref<128x128xf32, #tpu.memory_space<hbm>>) target_semaphore(%run_scoped3A_183 : memref<!tpu.dma_semaphore, #tpu.memory_space<semaphore_mem>>)
        %dma_wait3A_190 = arith.constant 0 : i32
        %dma_wait3A_191 = tpu.memref_slice %arg4[%scan3A_8, %add3A_110, %dma_wait3A_190] : memref<25x16384x128xf32, #tpu.memory_space<hbm>> -> memref<1x128x128xf32, #tpu.memory_space<hbm>>
        %dma_wait3A_192 = tpu.memref_squeeze %dma_wait3A_191 : memref<1x128x128xf32, #tpu.memory_space<hbm>> -> memref<128x128xf32, #tpu.memory_space<hbm>>
        %dma_wait3A_193 = arith.constant 0 : i32
        %dma_wait3A_194 = tpu.memref_slice %arg4[%scan3A_8, %add3A_110, %dma_wait3A_193] : memref<25x16384x128xf32, #tpu.memory_space<hbm>> -> memref<1x128x128xf32, #tpu.memory_space<hbm>>
        %dma_wait3A_195 = tpu.memref_squeeze %dma_wait3A_194 : memref<1x128x128xf32, #tpu.memory_space<hbm>> -> memref<128x128xf32, #tpu.memory_space<hbm>>
        tpu.wait_dma2 semaphore(%run_scoped3A_183 : memref<!tpu.dma_semaphore, #tpu.memory_space<semaphore_mem>>) src(%arg9 : memref<128x128xf32, #tpu.memory_space<vmem>>) dst(%dma_wait3A_195 : memref<128x128xf32, #tpu.memory_space<hbm>>)
        tpu.yield
      }) : () -> ()
      %dma_start3A_111 = arith.constant 2 : i32
      %dma_start3A_112 = arith.constant 0 : i32
      %dma_start3A_113 = tpu.memref_slice %arg5[%dma_start3A_111, %dma_start3A_112] : memref<4x128xi32, #tpu.memory_space<vmem>> -> memref<1x128xi32, #tpu.memory_space<vmem>>
      %dma_start3A_114 = tpu.memref_squeeze %dma_start3A_113 : memref<1x128xi32, #tpu.memory_space<vmem>> -> memref<128xi32, #tpu.memory_space<vmem>>
      %dma_start3A_115 = arith.constant 0 : i32
      %dma_start3A_116 = arith.constant 0 : i32
      %dma_start3A_117 = tpu.memref_slice %arg3[%dma_start3A_115, %dma_start3A_116] : memref<1000000x128xf32, #tpu.memory_space<hbm>> -> memref<1000000x128xf32, #tpu.memory_space<hbm>>
      tpu.enqueue_indirect_dma source(%dma_start3A_117 : memref<1000000x128xf32, #tpu.memory_space<hbm>>) target(%arg7 : memref<128x128xf32, #tpu.memory_space<vmem>>) offsets(%dma_start3A_114 : memref<128xi32, #tpu.memory_space<vmem>>) semaphore(%arg10 : memref<!tpu.dma_semaphore, #tpu.memory_space<semaphore_mem>>)
      %dma_start3A_118 = arith.constant 2 : i32
      %dma_start3A_119 = arith.constant 0 : i32
      %dma_start3A_120 = tpu.memref_slice %arg6[%dma_start3A_118, %dma_start3A_119] : memref<4x128xi32, #tpu.memory_space<vmem>> -> memref<1x128xi32, #tpu.memory_space<vmem>>
      %dma_start3A_121 = tpu.memref_squeeze %dma_start3A_120 : memref<1x128xi32, #tpu.memory_space<vmem>> -> memref<128xi32, #tpu.memory_space<vmem>>
      %dma_start3A_122 = arith.constant 0 : i32
      %dma_start3A_123 = arith.constant 0 : i32
      %dma_start3A_124 = tpu.memref_slice %arg3[%dma_start3A_122, %dma_start3A_123] : memref<1000000x128xf32, #tpu.memory_space<hbm>> -> memref<1000000x128xf32, #tpu.memory_space<hbm>>
      tpu.enqueue_indirect_dma source(%dma_start3A_124 : memref<1000000x128xf32, #tpu.memory_space<hbm>>) target(%arg8 : memref<128x128xf32, #tpu.memory_space<vmem>>) offsets(%dma_start3A_121 : memref<128xi32, #tpu.memory_space<vmem>>) semaphore(%arg10 : memref<!tpu.dma_semaphore, #tpu.memory_space<semaphore_mem>>)
      %dma_wait3A_125 = arith.constant 2 : i32
      %dma_wait3A_126 = arith.constant 0 : i32
      %dma_wait3A_127 = tpu.memref_slice %arg6[%dma_wait3A_125, %dma_wait3A_126] : memref<4x128xi32, #tpu.memory_space<vmem>> -> memref<1x128xi32, #tpu.memory_space<vmem>>
      %dma_wait3A_128 = tpu.memref_squeeze %dma_wait3A_127 : memref<1x128xi32, #tpu.memory_space<vmem>> -> memref<128xi32, #tpu.memory_space<vmem>>
      %dma_wait3A_129 = arith.constant 0 : i32
      %dma_wait3A_130 = arith.constant 0 : i32
      %dma_wait3A_131 = tpu.memref_slice %arg3[%dma_wait3A_129, %dma_wait3A_130] : memref<1000000x128xf32, #tpu.memory_space<hbm>> -> memref<1000000x128xf32, #tpu.memory_space<hbm>>
      tpu.wait_indirect_dma semaphore(%arg10 : memref<!tpu.dma_semaphore, #tpu.memory_space<semaphore_mem>>) src(%dma_wait3A_131 : memref<1000000x128xf32, #tpu.memory_space<hbm>>) dst(%arg8 : memref<128x128xf32, #tpu.memory_space<vmem>>)
      %dma_wait3A_132 = arith.constant 2 : i32
      %dma_wait3A_133 = arith.constant 0 : i32
      %dma_wait3A_134 = tpu.memref_slice %arg6[%dma_wait3A_132, %dma_wait3A_133] : memref<4x128xi32, #tpu.memory_space<vmem>> -> memref<1x128xi32, #tpu.memory_space<vmem>>
      %dma_wait3A_135 = tpu.memref_squeeze %dma_wait3A_134 : memref<1x128xi32, #tpu.memory_space<vmem>> -> memref<128xi32, #tpu.memory_space<vmem>>
      %dma_wait3A_136 = arith.constant 0 : i32
      %dma_wait3A_137 = arith.constant 0 : i32
      %dma_wait3A_138 = tpu.memref_slice %arg3[%dma_wait3A_136, %dma_wait3A_137] : memref<1000000x128xf32, #tpu.memory_space<hbm>> -> memref<1000000x128xf32, #tpu.memory_space<hbm>>
      tpu.wait_indirect_dma semaphore(%arg10 : memref<!tpu.dma_semaphore, #tpu.memory_space<semaphore_mem>>) src(%dma_wait3A_138 : memref<1000000x128xf32, #tpu.memory_space<hbm>>) dst(%arg8 : memref<128x128xf32, #tpu.memory_space<vmem>>)
      %scan3A_139 = arith.constant 0 : i32
      %scan3A_140 = arith.constant 0 : i32
      %scan3A_141 = arith.constant 128 : i32
      %scan3A_142 = arith.addi %scan3A_140, %scan3A_141 : i32
      %scan3A_143 = arith.constant 1 : i32
      scf.for %scan3A_183 = %scan3A_140 to %scan3A_142 step %scan3A_143  : i32 {
        %get3A = arith.index_cast %scan3A_183 : i32 to index
        %get3A_184 = arith.constant 0 : index
        %get3A_185 = tpu.vector_load %arg7[%get3A, %get3A_184] {strides = array<i32>} : memref<128x128xf32, #tpu.memory_space<vmem>>, vector<1x16xf32>,
        %get3A_186 = vector.shape_cast %get3A_185 : vector<1x16xf32> to vector<16xf32>
        %swap3A = arith.index_cast %scan3A_183 : i32 to index
        %swap3A_187 = arith.constant 0 : index
        %swap3A_188 = tpu.vector_load %arg9[%swap3A, %swap3A_187] {strides = array<i32>} : memref<128x128xf32, #tpu.memory_space<vmem>>, vector<1x16xf32>,
        %swap3A_189 = vector.shape_cast %swap3A_188 : vector<1x16xf32> to vector<16xf32>
        %swap3A_190 = vector.shape_cast %get3A_186 : vector<16xf32> to vector<1x16xf32>
        tpu.vector_store %arg9[%swap3A, %swap3A_187], %swap3A_190 {strides = array<i32>} : memref<128x128xf32, #tpu.memory_space<vmem>>, vector<1x16xf32>,
        %get3A_191 = arith.index_cast %scan3A_183 : i32 to index
        %get3A_192 = arith.constant 0 : index
        %get3A_193 = tpu.vector_load %arg8[%get3A_191, %get3A_192] {strides = array<i32>} : memref<128x128xf32, #tpu.memory_space<vmem>>, vector<1x16xf32>,
        %get3A_194 = vector.shape_cast %get3A_193 : vector<1x16xf32> to vector<16xf32>
        %swap3A_195 = arith.index_cast %scan3A_183 : i32 to index
        %swap3A_196 = arith.constant 64 : index
        %swap3A_197 = tpu.vector_load %arg9[%swap3A_195, %swap3A_196] {strides = array<i32>} : memref<128x128xf32, #tpu.memory_space<vmem>>, vector<1x16xf32>,
        %swap3A_198 = vector.shape_cast %swap3A_197 : vector<1x16xf32> to vector<16xf32>
        %swap3A_199 = vector.shape_cast %get3A_194 : vector<16xf32> to vector<1x16xf32>
        tpu.vector_store %arg9[%swap3A_195, %swap3A_196], %swap3A_199 {strides = array<i32>} : memref<128x128xf32, #tpu.memory_space<vmem>>, vector<1x16xf32>,
        %get3A_200 = arith.index_cast %scan3A_183 : i32 to index
        %get3A_201 = arith.constant 16 : index
        %get3A_202 = tpu.vector_load %arg7[%get3A_200, %get3A_201] {strides = array<i32>} : memref<128x128xf32, #tpu.memory_space<vmem>>, vector<1x16xf32>,
        %get3A_203 = vector.shape_cast %get3A_202 : vector<1x16xf32> to vector<16xf32>
        %swap3A_204 = arith.index_cast %scan3A_183 : i32 to index
        %swap3A_205 = arith.constant 16 : index
        %swap3A_206 = tpu.vector_load %arg9[%swap3A_204, %swap3A_205] {strides = array<i32>} : memref<128x128xf32, #tpu.memory_space<vmem>>, vector<1x16xf32>,
        %swap3A_207 = vector.shape_cast %swap3A_206 : vector<1x16xf32> to vector<16xf32>
        %swap3A_208 = vector.shape_cast %get3A_203 : vector<16xf32> to vector<1x16xf32>
        tpu.vector_store %arg9[%swap3A_204, %swap3A_205], %swap3A_208 {strides = array<i32>} : memref<128x128xf32, #tpu.memory_space<vmem>>, vector<1x16xf32>,
        %get3A_209 = arith.index_cast %scan3A_183 : i32 to index
        %get3A_210 = arith.constant 16 : index
        %get3A_211 = tpu.vector_load %arg8[%get3A_209, %get3A_210] {strides = array<i32>} : memref<128x128xf32, #tpu.memory_space<vmem>>, vector<1x16xf32>,
        %get3A_212 = vector.shape_cast %get3A_211 : vector<1x16xf32> to vector<16xf32>
        %swap3A_213 = arith.index_cast %scan3A_183 : i32 to index
        %swap3A_214 = arith.constant 80 : index
        %swap3A_215 = tpu.vector_load %arg9[%swap3A_213, %swap3A_214] {strides = array<i32>} : memref<128x128xf32, #tpu.memory_space<vmem>>, vector<1x16xf32>,
        %swap3A_216 = vector.shape_cast %swap3A_215 : vector<1x16xf32> to vector<16xf32>
        %swap3A_217 = vector.shape_cast %get3A_212 : vector<16xf32> to vector<1x16xf32>
        tpu.vector_store %arg9[%swap3A_213, %swap3A_214], %swap3A_217 {strides = array<i32>} : memref<128x128xf32, #tpu.memory_space<vmem>>, vector<1x16xf32>,
        %get3A_218 = arith.index_cast %scan3A_183 : i32 to index
        %get3A_219 = arith.constant 32 : index
        %get3A_220 = tpu.vector_load %arg7[%get3A_218, %get3A_219] {strides = array<i32>} : memref<128x128xf32, #tpu.memory_space<vmem>>, vector<1x16xf32>,
        %get3A_221 = vector.shape_cast %get3A_220 : vector<1x16xf32> to vector<16xf32>
        %swap3A_222 = arith.index_cast %scan3A_183 : i32 to index
        %swap3A_223 = arith.constant 32 : index
        %swap3A_224 = tpu.vector_load %arg9[%swap3A_222, %swap3A_223] {strides = array<i32>} : memref<128x128xf32, #tpu.memory_space<vmem>>, vector<1x16xf32>,
        %swap3A_225 = vector.shape_cast %swap3A_224 : vector<1x16xf32> to vector<16xf32>
        %swap3A_226 = vector.shape_cast %get3A_221 : vector<16xf32> to vector<1x16xf32>
        tpu.vector_store %arg9[%swap3A_222, %swap3A_223], %swap3A_226 {strides = array<i32>} : memref<128x128xf32, #tpu.memory_space<vmem>>, vector<1x16xf32>,
        %get3A_227 = arith.index_cast %scan3A_183 : i32 to index
        %get3A_228 = arith.constant 32 : index
        %get3A_229 = tpu.vector_load %arg8[%get3A_227, %get3A_228] {strides = array<i32>} : memref<128x128xf32, #tpu.memory_space<vmem>>, vector<1x16xf32>,
        %get3A_230 = vector.shape_cast %get3A_229 : vector<1x16xf32> to vector<16xf32>
        %swap3A_231 = arith.index_cast %scan3A_183 : i32 to index
        %swap3A_232 = arith.constant 96 : index
        %swap3A_233 = tpu.vector_load %arg9[%swap3A_231, %swap3A_232] {strides = array<i32>} : memref<128x128xf32, #tpu.memory_space<vmem>>, vector<1x16xf32>,
        %swap3A_234 = vector.shape_cast %swap3A_233 : vector<1x16xf32> to vector<16xf32>
        %swap3A_235 = vector.shape_cast %get3A_230 : vector<16xf32> to vector<1x16xf32>
        tpu.vector_store %arg9[%swap3A_231, %swap3A_232], %swap3A_235 {strides = array<i32>} : memref<128x128xf32, #tpu.memory_space<vmem>>, vector<1x16xf32>,
        %get3A_236 = arith.index_cast %scan3A_183 : i32 to index
        %get3A_237 = arith.constant 48 : index
        %get3A_238 = tpu.vector_load %arg7[%get3A_236, %get3A_237] {strides = array<i32>} : memref<128x128xf32, #tpu.memory_space<vmem>>, vector<1x16xf32>,
        %get3A_239 = vector.shape_cast %get3A_238 : vector<1x16xf32> to vector<16xf32>
        %swap3A_240 = arith.index_cast %scan3A_183 : i32 to index
        %swap3A_241 = arith.constant 48 : index
        %swap3A_242 = tpu.vector_load %arg9[%swap3A_240, %swap3A_241] {strides = array<i32>} : memref<128x128xf32, #tpu.memory_space<vmem>>, vector<1x16xf32>,
        %swap3A_243 = vector.shape_cast %swap3A_242 : vector<1x16xf32> to vector<16xf32>
        %swap3A_244 = vector.shape_cast %get3A_239 : vector<16xf32> to vector<1x16xf32>
        tpu.vector_store %arg9[%swap3A_240, %swap3A_241], %swap3A_244 {strides = array<i32>} : memref<128x128xf32, #tpu.memory_space<vmem>>, vector<1x16xf32>,
        %get3A_245 = arith.index_cast %scan3A_183 : i32 to index
        %get3A_246 = arith.constant 48 : index
        %get3A_247 = tpu.vector_load %arg8[%get3A_245, %get3A_246] {strides = array<i32>} : memref<128x128xf32, #tpu.memory_space<vmem>>, vector<1x16xf32>,
        %get3A_248 = vector.shape_cast %get3A_247 : vector<1x16xf32> to vector<16xf32>
        %swap3A_249 = arith.index_cast %scan3A_183 : i32 to index
        %swap3A_250 = arith.constant 112 : index
        %swap3A_251 = tpu.vector_load %arg9[%swap3A_249, %swap3A_250] {strides = array<i32>} : memref<128x128xf32, #tpu.memory_space<vmem>>, vector<1x16xf32>,
        %swap3A_252 = vector.shape_cast %swap3A_251 : vector<1x16xf32> to vector<16xf32>
        %swap3A_253 = vector.shape_cast %get3A_248 : vector<16xf32> to vector<1x16xf32>
        tpu.vector_store %arg9[%swap3A_249, %swap3A_250], %swap3A_253 {strides = array<i32>} : memref<128x128xf32, #tpu.memory_space<vmem>>, vector<1x16xf32>,
      }
      %scan3A_144 = arith.constant 128 : i32
      %add3A_145 = arith.constant 256 : i32
      %add3A_146 = arith.addi %mul3A_2, %add3A_145 : i32
      "tpu.region"() ({
        %run_scoped3A_183 = tpu.sem_alloc : memref<!tpu.dma_semaphore, #tpu.memory_space<semaphore_mem>>
        %dma_start3A_184 = arith.constant 0 : i32
        %dma_start3A_185 = tpu.memref_slice %arg4[%scan3A_8, %add3A_146, %dma_start3A_184] : memref<25x16384x128xf32, #tpu.memory_space<hbm>> -> memref<1x128x128xf32, #tpu.memory_space<hbm>>
        %dma_start3A_186 = tpu.memref_squeeze %dma_start3A_185 : memref<1x128x128xf32, #tpu.memory_space<hbm>> -> memref<128x128xf32, #tpu.memory_space<hbm>>
        %dma_start3A_187 = arith.constant 0 : i32
        %dma_start3A_188 = tpu.memref_slice %arg4[%scan3A_8, %add3A_146, %dma_start3A_187] : memref<25x16384x128xf32, #tpu.memory_space<hbm>> -> memref<1x128x128xf32, #tpu.memory_space<hbm>>
        %dma_start3A_189 = tpu.memref_squeeze %dma_start3A_188 : memref<1x128x128xf32, #tpu.memory_space<hbm>> -> memref<128x128xf32, #tpu.memory_space<hbm>>
        tpu.enqueue_dma source(%arg9 : memref<128x128xf32, #tpu.memory_space<vmem>>) target(%dma_start3A_189 : memref<128x128xf32, #tpu.memory_space<hbm>>) target_semaphore(%run_scoped3A_183 : memref<!tpu.dma_semaphore, #tpu.memory_space<semaphore_mem>>)
        %dma_wait3A_190 = arith.constant 0 : i32
        %dma_wait3A_191 = tpu.memref_slice %arg4[%scan3A_8, %add3A_146, %dma_wait3A_190] : memref<25x16384x128xf32, #tpu.memory_space<hbm>> -> memref<1x128x128xf32, #tpu.memory_space<hbm>>
        %dma_wait3A_192 = tpu.memref_squeeze %dma_wait3A_191 : memref<1x128x128xf32, #tpu.memory_space<hbm>> -> memref<128x128xf32, #tpu.memory_space<hbm>>
        %dma_wait3A_193 = arith.constant 0 : i32
        %dma_wait3A_194 = tpu.memref_slice %arg4[%scan3A_8, %add3A_146, %dma_wait3A_193] : memref<25x16384x128xf32, #tpu.memory_space<hbm>> -> memref<1x128x128xf32, #tpu.memory_space<hbm>>
        %dma_wait3A_195 = tpu.memref_squeeze %dma_wait3A_194 : memref<1x128x128xf32, #tpu.memory_space<hbm>> -> memref<128x128xf32, #tpu.memory_space<hbm>>
        tpu.wait_dma2 semaphore(%run_scoped3A_183 : memref<!tpu.dma_semaphore, #tpu.memory_space<semaphore_mem>>) src(%arg9 : memref<128x128xf32, #tpu.memory_space<vmem>>) dst(%dma_wait3A_195 : memref<128x128xf32, #tpu.memory_space<hbm>>)
        tpu.yield
      }) : () -> ()
      %dma_start3A_147 = arith.constant 3 : i32
      %dma_start3A_148 = arith.constant 0 : i32
      %dma_start3A_149 = tpu.memref_slice %arg5[%dma_start3A_147, %dma_start3A_148] : memref<4x128xi32, #tpu.memory_space<vmem>> -> memref<1x128xi32, #tpu.memory_space<vmem>>
      %dma_start3A_150 = tpu.memref_squeeze %dma_start3A_149 : memref<1x128xi32, #tpu.memory_space<vmem>> -> memref<128xi32, #tpu.memory_space<vmem>>
      %dma_start3A_151 = arith.constant 0 : i32
      %dma_start3A_152 = arith.constant 0 : i32
      %dma_start3A_153 = tpu.memref_slice %arg3[%dma_start3A_151, %dma_start3A_152] : memref<1000000x128xf32, #tpu.memory_space<hbm>> -> memref<1000000x128xf32, #tpu.memory_space<hbm>>
      tpu.enqueue_indirect_dma source(%dma_start3A_153 : memref<1000000x128xf32, #tpu.memory_space<hbm>>) target(%arg7 : memref<128x128xf32, #tpu.memory_space<vmem>>) offsets(%dma_start3A_150 : memref<128xi32, #tpu.memory_space<vmem>>) semaphore(%arg10 : memref<!tpu.dma_semaphore, #tpu.memory_space<semaphore_mem>>)
      %dma_start3A_154 = arith.constant 3 : i32
      %dma_start3A_155 = arith.constant 0 : i32
      %dma_start3A_156 = tpu.memref_slice %arg6[%dma_start3A_154, %dma_start3A_155] : memref<4x128xi32, #tpu.memory_space<vmem>> -> memref<1x128xi32, #tpu.memory_space<vmem>>
      %dma_start3A_157 = tpu.memref_squeeze %dma_start3A_156 : memref<1x128xi32, #tpu.memory_space<vmem>> -> memref<128xi32, #tpu.memory_space<vmem>>
      %dma_start3A_158 = arith.constant 0 : i32
      %dma_start3A_159 = arith.constant 0 : i32
      %dma_start3A_160 = tpu.memref_slice %arg3[%dma_start3A_158, %dma_start3A_159] : memref<1000000x128xf32, #tpu.memory_space<hbm>> -> memref<1000000x128xf32, #tpu.memory_space<hbm>>
      tpu.enqueue_indirect_dma source(%dma_start3A_160 : memref<1000000x128xf32, #tpu.memory_space<hbm>>) target(%arg8 : memref<128x128xf32, #tpu.memory_space<vmem>>) offsets(%dma_start3A_157 : memref<128xi32, #tpu.memory_space<vmem>>) semaphore(%arg10 : memref<!tpu.dma_semaphore, #tpu.memory_space<semaphore_mem>>)
      %dma_wait3A_161 = arith.constant 3 : i32
      %dma_wait3A_162 = arith.constant 0 : i32
      %dma_wait3A_163 = tpu.memref_slice %arg6[%dma_wait3A_161, %dma_wait3A_162] : memref<4x128xi32, #tpu.memory_space<vmem>> -> memref<1x128xi32, #tpu.memory_space<vmem>>
      %dma_wait3A_164 = tpu.memref_squeeze %dma_wait3A_163 : memref<1x128xi32, #tpu.memory_space<vmem>> -> memref<128xi32, #tpu.memory_space<vmem>>
      %dma_wait3A_165 = arith.constant 0 : i32
      %dma_wait3A_166 = arith.constant 0 : i32
      %dma_wait3A_167 = tpu.memref_slice %arg3[%dma_wait3A_165, %dma_wait3A_166] : memref<1000000x128xf32, #tpu.memory_space<hbm>> -> memref<1000000x128xf32, #tpu.memory_space<hbm>>
      tpu.wait_indirect_dma semaphore(%arg10 : memref<!tpu.dma_semaphore, #tpu.memory_space<semaphore_mem>>) src(%dma_wait3A_167 : memref<1000000x128xf32, #tpu.memory_space<hbm>>) dst(%arg8 : memref<128x128xf32, #tpu.memory_space<vmem>>)
      %dma_wait3A_168 = arith.constant 3 : i32
      %dma_wait3A_169 = arith.constant 0 : i32
      %dma_wait3A_170 = tpu.memref_slice %arg6[%dma_wait3A_168, %dma_wait3A_169] : memref<4x128xi32, #tpu.memory_space<vmem>> -> memref<1x128xi32, #tpu.memory_space<vmem>>
      %dma_wait3A_171 = tpu.memref_squeeze %dma_wait3A_170 : memref<1x128xi32, #tpu.memory_space<vmem>> -> memref<128xi32, #tpu.memory_space<vmem>>
      %dma_wait3A_172 = arith.constant 0 : i32
      %dma_wait3A_173 = arith.constant 0 : i32
      %dma_wait3A_174 = tpu.memref_slice %arg3[%dma_wait3A_172, %dma_wait3A_173] : memref<1000000x128xf32, #tpu.memory_space<hbm>> -> memref<1000000x128xf32, #tpu.memory_space<hbm>>
      tpu.wait_indirect_dma semaphore(%arg10 : memref<!tpu.dma_semaphore, #tpu.memory_space<semaphore_mem>>) src(%dma_wait3A_174 : memref<1000000x128xf32, #tpu.memory_space<hbm>>) dst(%arg8 : memref<128x128xf32, #tpu.memory_space<vmem>>)
      %scan3A_175 = arith.constant 0 : i32
      %scan3A_176 = arith.constant 0 : i32
      %scan3A_177 = arith.constant 128 : i32
      %scan3A_178 = arith.addi %scan3A_176, %scan3A_177 : i32
      %scan3A_179 = arith.constant 1 : i32
      scf.for %scan3A_183 = %scan3A_176 to %scan3A_178 step %scan3A_179  : i32 {
        %get3A = arith.index_cast %scan3A_183 : i32 to index
        %get3A_184 = arith.constant 0 : index
        %get3A_185 = tpu.vector_load %arg7[%get3A, %get3A_184] {strides = array<i32>} : memref<128x128xf32, #tpu.memory_space<vmem>>, vector<1x16xf32>,
        %get3A_186 = vector.shape_cast %get3A_185 : vector<1x16xf32> to vector<16xf32>
        %swap3A = arith.index_cast %scan3A_183 : i32 to index
        %swap3A_187 = arith.constant 0 : index
        %swap3A_188 = tpu.vector_load %arg9[%swap3A, %swap3A_187] {strides = array<i32>} : memref<128x128xf32, #tpu.memory_space<vmem>>, vector<1x16xf32>,
        %swap3A_189 = vector.shape_cast %swap3A_188 : vector<1x16xf32> to vector<16xf32>
        %swap3A_190 = vector.shape_cast %get3A_186 : vector<16xf32> to vector<1x16xf32>
        tpu.vector_store %arg9[%swap3A, %swap3A_187], %swap3A_190 {strides = array<i32>} : memref<128x128xf32, #tpu.memory_space<vmem>>, vector<1x16xf32>,
        %get3A_191 = arith.index_cast %scan3A_183 : i32 to index
        %get3A_192 = arith.constant 0 : index
        %get3A_193 = tpu.vector_load %arg8[%get3A_191, %get3A_192] {strides = array<i32>} : memref<128x128xf32, #tpu.memory_space<vmem>>, vector<1x16xf32>,
        %get3A_194 = vector.shape_cast %get3A_193 : vector<1x16xf32> to vector<16xf32>
        %swap3A_195 = arith.index_cast %scan3A_183 : i32 to index
        %swap3A_196 = arith.constant 64 : index
        %swap3A_197 = tpu.vector_load %arg9[%swap3A_195, %swap3A_196] {strides = array<i32>} : memref<128x128xf32, #tpu.memory_space<vmem>>, vector<1x16xf32>,
        %swap3A_198 = vector.shape_cast %swap3A_197 : vector<1x16xf32> to vector<16xf32>
        %swap3A_199 = vector.shape_cast %get3A_194 : vector<16xf32> to vector<1x16xf32>
        tpu.vector_store %arg9[%swap3A_195, %swap3A_196], %swap3A_199 {strides = array<i32>} : memref<128x128xf32, #tpu.memory_space<vmem>>, vector<1x16xf32>,
        %get3A_200 = arith.index_cast %scan3A_183 : i32 to index
        %get3A_201 = arith.constant 16 : index
        %get3A_202 = tpu.vector_load %arg7[%get3A_200, %get3A_201] {strides = array<i32>} : memref<128x128xf32, #tpu.memory_space<vmem>>, vector<1x16xf32>,
        %get3A_203 = vector.shape_cast %get3A_202 : vector<1x16xf32> to vector<16xf32>
        %swap3A_204 = arith.index_cast %scan3A_183 : i32 to index
        %swap3A_205 = arith.constant 16 : index
        %swap3A_206 = tpu.vector_load %arg9[%swap3A_204, %swap3A_205] {strides = array<i32>} : memref<128x128xf32, #tpu.memory_space<vmem>>, vector<1x16xf32>,
        %swap3A_207 = vector.shape_cast %swap3A_206 : vector<1x16xf32> to vector<16xf32>
        %swap3A_208 = vector.shape_cast %get3A_203 : vector<16xf32> to vector<1x16xf32>
        tpu.vector_store %arg9[%swap3A_204, %swap3A_205], %swap3A_208 {strides = array<i32>} : memref<128x128xf32, #tpu.memory_space<vmem>>, vector<1x16xf32>,
        %get3A_209 = arith.index_cast %scan3A_183 : i32 to index
        %get3A_210 = arith.constant 16 : index
        %get3A_211 = tpu.vector_load %arg8[%get3A_209, %get3A_210] {strides = array<i32>} : memref<128x128xf32, #tpu.memory_space<vmem>>, vector<1x16xf32>,
        %get3A_212 = vector.shape_cast %get3A_211 : vector<1x16xf32> to vector<16xf32>
        %swap3A_213 = arith.index_cast %scan3A_183 : i32 to index
        %swap3A_214 = arith.constant 80 : index
        %swap3A_215 = tpu.vector_load %arg9[%swap3A_213, %swap3A_214] {strides = array<i32>} : memref<128x128xf32, #tpu.memory_space<vmem>>, vector<1x16xf32>,
        %swap3A_216 = vector.shape_cast %swap3A_215 : vector<1x16xf32> to vector<16xf32>
        %swap3A_217 = vector.shape_cast %get3A_212 : vector<16xf32> to vector<1x16xf32>
        tpu.vector_store %arg9[%swap3A_213, %swap3A_214], %swap3A_217 {strides = array<i32>} : memref<128x128xf32, #tpu.memory_space<vmem>>, vector<1x16xf32>,
        %get3A_218 = arith.index_cast %scan3A_183 : i32 to index
        %get3A_219 = arith.constant 32 : index
        %get3A_220 = tpu.vector_load %arg7[%get3A_218, %get3A_219] {strides = array<i32>} : memref<128x128xf32, #tpu.memory_space<vmem>>, vector<1x16xf32>,
        %get3A_221 = vector.shape_cast %get3A_220 : vector<1x16xf32> to vector<16xf32>
        %swap3A_222 = arith.index_cast %scan3A_183 : i32 to index
        %swap3A_223 = arith.constant 32 : index
        %swap3A_224 = tpu.vector_load %arg9[%swap3A_222, %swap3A_223] {strides = array<i32>} : memref<128x128xf32, #tpu.memory_space<vmem>>, vector<1x16xf32>,
        %swap3A_225 = vector.shape_cast %swap3A_224 : vector<1x16xf32> to vector<16xf32>
        %swap3A_226 = vector.shape_cast %get3A_221 : vector<16xf32> to vector<1x16xf32>
        tpu.vector_store %arg9[%swap3A_222, %swap3A_223], %swap3A_226 {strides = array<i32>} : memref<128x128xf32, #tpu.memory_space<vmem>>, vector<1x16xf32>,
        %get3A_227 = arith.index_cast %scan3A_183 : i32 to index
        %get3A_228 = arith.constant 32 : index
        %get3A_229 = tpu.vector_load %arg8[%get3A_227, %get3A_228] {strides = array<i32>} : memref<128x128xf32, #tpu.memory_space<vmem>>, vector<1x16xf32>,
        %get3A_230 = vector.shape_cast %get3A_229 : vector<1x16xf32> to vector<16xf32>
        %swap3A_231 = arith.index_cast %scan3A_183 : i32 to index
        %swap3A_232 = arith.constant 96 : index
        %swap3A_233 = tpu.vector_load %arg9[%swap3A_231, %swap3A_232] {strides = array<i32>} : memref<128x128xf32, #tpu.memory_space<vmem>>, vector<1x16xf32>,
        %swap3A_234 = vector.shape_cast %swap3A_233 : vector<1x16xf32> to vector<16xf32>
        %swap3A_235 = vector.shape_cast %get3A_230 : vector<16xf32> to vector<1x16xf32>
        tpu.vector_store %arg9[%swap3A_231, %swap3A_232], %swap3A_235 {strides = array<i32>} : memref<128x128xf32, #tpu.memory_space<vmem>>, vector<1x16xf32>,
        %get3A_236 = arith.index_cast %scan3A_183 : i32 to index
        %get3A_237 = arith.constant 48 : index
        %get3A_238 = tpu.vector_load %arg7[%get3A_236, %get3A_237] {strides = array<i32>} : memref<128x128xf32, #tpu.memory_space<vmem>>, vector<1x16xf32>,
        %get3A_239 = vector.shape_cast %get3A_238 : vector<1x16xf32> to vector<16xf32>
        %swap3A_240 = arith.index_cast %scan3A_183 : i32 to index
        %swap3A_241 = arith.constant 48 : index
        %swap3A_242 = tpu.vector_load %arg9[%swap3A_240, %swap3A_241] {strides = array<i32>} : memref<128x128xf32, #tpu.memory_space<vmem>>, vector<1x16xf32>,
        %swap3A_243 = vector.shape_cast %swap3A_242 : vector<1x16xf32> to vector<16xf32>
        %swap3A_244 = vector.shape_cast %get3A_239 : vector<16xf32> to vector<1x16xf32>
        tpu.vector_store %arg9[%swap3A_240, %swap3A_241], %swap3A_244 {strides = array<i32>} : memref<128x128xf32, #tpu.memory_space<vmem>>, vector<1x16xf32>,
        %get3A_245 = arith.index_cast %scan3A_183 : i32 to index
        %get3A_246 = arith.constant 48 : index
        %get3A_247 = tpu.vector_load %arg8[%get3A_245, %get3A_246] {strides = array<i32>} : memref<128x128xf32, #tpu.memory_space<vmem>>, vector<1x16xf32>,
        %get3A_248 = vector.shape_cast %get3A_247 : vector<1x16xf32> to vector<16xf32>
        %swap3A_249 = arith.index_cast %scan3A_183 : i32 to index
        %swap3A_250 = arith.constant 112 : index
        %swap3A_251 = tpu.vector_load %arg9[%swap3A_249, %swap3A_250] {strides = array<i32>} : memref<128x128xf32, #tpu.memory_space<vmem>>, vector<1x16xf32>,
        %swap3A_252 = vector.shape_cast %swap3A_251 : vector<1x16xf32> to vector<16xf32>
        %swap3A_253 = vector.shape_cast %get3A_248 : vector<16xf32> to vector<1x16xf32>
        tpu.vector_store %arg9[%swap3A_249, %swap3A_250], %swap3A_253 {strides = array<i32>} : memref<128x128xf32, #tpu.memory_space<vmem>>, vector<1x16xf32>,
      }
      %scan3A_180 = arith.constant 128 : i32
      %add3A_181 = arith.constant 384 : i32
      %add3A_182 = arith.addi %mul3A_2, %add3A_181 : i32
      "tpu.region"() ({
        %run_scoped3A_183 = tpu.sem_alloc : memref<!tpu.dma_semaphore, #tpu.memory_space<semaphore_mem>>
        %dma_start3A_184 = arith.constant 0 : i32
        %dma_start3A_185 = tpu.memref_slice %arg4[%scan3A_8, %add3A_182, %dma_start3A_184] : memref<25x16384x128xf32, #tpu.memory_space<hbm>> -> memref<1x128x128xf32, #tpu.memory_space<hbm>>
        %dma_start3A_186 = tpu.memref_squeeze %dma_start3A_185 : memref<1x128x128xf32, #tpu.memory_space<hbm>> -> memref<128x128xf32, #tpu.memory_space<hbm>>
        %dma_start3A_187 = arith.constant 0 : i32
        %dma_start3A_188 = tpu.memref_slice %arg4[%scan3A_8, %add3A_182, %dma_start3A_187] : memref<25x16384x128xf32, #tpu.memory_space<hbm>> -> memref<1x128x128xf32, #tpu.memory_space<hbm>>
        %dma_start3A_189 = tpu.memref_squeeze %dma_start3A_188 : memref<1x128x128xf32, #tpu.memory_space<hbm>> -> memref<128x128xf32, #tpu.memory_space<hbm>>
        tpu.enqueue_dma source(%arg9 : memref<128x128xf32, #tpu.memory_space<vmem>>) target(%dma_start3A_189 : memref<128x128xf32, #tpu.memory_space<hbm>>) target_semaphore(%run_scoped3A_183 : memref<!tpu.dma_semaphore, #tpu.memory_space<semaphore_mem>>)
        %dma_wait3A_190 = arith.constant 0 : i32
        %dma_wait3A_191 = tpu.memref_slice %arg4[%scan3A_8, %add3A_182, %dma_wait3A_190] : memref<25x16384x128xf32, #tpu.memory_space<hbm>> -> memref<1x128x128xf32, #tpu.memory_space<hbm>>
        %dma_wait3A_192 = tpu.memref_squeeze %dma_wait3A_191 : memref<1x128x128xf32, #tpu.memory_space<hbm>> -> memref<128x128xf32, #tpu.memory_space<hbm>>
        %dma_wait3A_193 = arith.constant 0 : i32
        %dma_wait3A_194 = tpu.memref_slice %arg4[%scan3A_8, %add3A_182, %dma_wait3A_193] : memref<25x16384x128xf32, #tpu.memory_space<hbm>> -> memref<1x128x128xf32, #tpu.memory_space<hbm>>
        %dma_wait3A_195 = tpu.memref_squeeze %dma_wait3A_194 : memref<1x128x128xf32, #tpu.memory_space<hbm>> -> memref<128x128xf32, #tpu.memory_space<hbm>>
        tpu.wait_dma2 semaphore(%run_scoped3A_183 : memref<!tpu.dma_semaphore, #tpu.memory_space<semaphore_mem>>) src(%arg9 : memref<128x128xf32, #tpu.memory_space<vmem>>) dst(%dma_wait3A_195 : memref<128x128xf32, #tpu.memory_space<hbm>>)
        tpu.yield
      }) : () -> ()
    }
    %scan3A_7 = arith.constant 25 : i32
    return
  }
}

module attributes {stable_mosaic.version = 14 : i64} {
  func.func @_tc_pair_body(%arg0: i32, %arg1: memref<64x4096xf32, #tpu.memory_space<vmem>>, %arg2: memref<4096x128xf32, #tpu.memory_space<vmem>>) attributes {dimension_semantics = [#tpu.dimension_semantics<arbitrary>], iteration_bounds = array<i64: 245>, scalar_prefetch = 0 : i64, scratch_operands = 0 : i64, tpu.core_type = #tpu.core_type<tc>, window_params = [{transform_indices = @transform_0, window_bounds = array<i64: 64, 4096>}, {transform_indices = @transform_1, window_bounds = array<i64: 4096, 128>}]} {
    %get3A = arith.constant 0 : index
    %get3A_0 = arith.constant 0 : index
    %get3A_1 = vector.load %arg1[%get3A, %get3A_0] : memref<64x4096xf32, #tpu.memory_space<vmem>>, vector<64x4096xf32>
    %transpose3A = tpu.transpose %get3A_1, [1, 0] : vector<64x4096xf32> -> vector<4096x64xf32>
    %swap3A = arith.constant 0 : index
    %swap3A_2 = arith.constant 0 : index
    %swap3A_3 = vector.load %arg2[%swap3A, %swap3A_2] : memref<4096x128xf32, #tpu.memory_space<vmem>>, vector<4096x64xf32>
    tpu.vector_store %arg2[%swap3A, %swap3A_2], %transpose3A {strides = array<i32>} : memref<4096x128xf32, #tpu.memory_space<vmem>>, vector<4096x64xf32>,
    %swap3A_4 = arith.constant 0 : index
    %swap3A_5 = arith.constant 64 : index
    %swap3A_6 = vector.load %arg2[%swap3A_4, %swap3A_5] : memref<4096x128xf32, #tpu.memory_space<vmem>>, vector<4096x64xf32>
    tpu.vector_store %arg2[%swap3A_4, %swap3A_5], %transpose3A {strides = array<i32>} : memref<4096x128xf32, #tpu.memory_space<vmem>>, vector<4096x64xf32>,
    return
  }
  func.func @transform_0(%arg0: i32) -> (i32, i32) {
    %c0_i32 = arith.constant 0 : i32
    %c0_i32_0 = arith.constant 0 : i32
    return %c0_i32, %arg0 : i32, i32
  }
  func.func @transform_1(%arg0: i32) -> (i32, i32) {
    %c0_i32 = arith.constant 0 : i32
    %c0_i32_0 = arith.constant 0 : i32
    return %arg0, %c0_i32 : i32, i32
  }
}

module attributes {stable_mosaic.version = 14 : i64} {
  func.func @_tc_transpose_body(%arg0: i32, %arg1: i32, %arg2: memref<1x2048x128xf32, #tpu.memory_space<vmem>>, %arg3: memref<2x64x2048xf32, #tpu.memory_space<vmem>>) attributes {dimension_semantics = [#tpu.dimension_semantics<arbitrary>, #tpu.dimension_semantics<arbitrary>], iteration_bounds = array<i64: 25, 8>, scalar_prefetch = 0 : i64, scratch_operands = 0 : i64, tpu.core_type = #tpu.core_type<tc>, window_params = [{transform_indices = @transform_0, window_bounds = array<i64: 1, 2048, 128>}, {transform_indices = @transform_1, window_bounds = array<i64: 2, 64, 2048>}]} {
    %get3A = arith.constant 0 : index
    %get3A_0 = arith.constant 0 : index
    %get3A_1 = arith.constant 0 : index
    %get3A_2 = vector.load %arg2[%get3A, %get3A_0, %get3A_1] : memref<1x2048x128xf32, #tpu.memory_space<vmem>>, vector<1x2048x128xf32>
    %get3A_3 = vector.shape_cast %get3A_2 : vector<1x2048x128xf32> to vector<2048x128xf32>
    %transpose3A = tpu.transpose %get3A_3, [1, 0] : vector<2048x128xf32> -> vector<128x2048xf32>
    %reshape3A = vector.shape_cast %transpose3A : vector<128x2048xf32> to vector<2x64x2048xf32>
    %add3A = arith.constant 8.000000e+00 : f32
    %add3A_4 = vector.broadcast %add3A : f32 to vector<2x64x2048xf32>
    %add3A_5 = arith.addf %reshape3A, %add3A_4 : vector<2x64x2048xf32>
    %swap3A = arith.constant 0 : index
    %swap3A_6 = arith.constant 0 : index
    %swap3A_7 = arith.constant 0 : index
    %swap3A_8 = vector.load %arg3[%swap3A, %swap3A_6, %swap3A_7] : memref<2x64x2048xf32, #tpu.memory_space<vmem>>, vector<2x64x2048xf32>
    tpu.vector_store %arg3[%swap3A, %swap3A_6, %swap3A_7], %add3A_5 {strides = array<i32>} : memref<2x64x2048xf32, #tpu.memory_space<vmem>>, vector<2x64x2048xf32>,
    return
  }
  func.func @transform_0(%arg0: i32, %arg1: i32) -> (i32, i32, i32) {
    %c0_i32 = arith.constant 0 : i32
    %c0_i32_0 = arith.constant 0 : i32
    return %arg0, %arg1, %c0_i32 : i32, i32, i32
  }
  func.func @transform_1(%arg0: i32, %arg1: i32) -> (i32, i32, i32) {
    %c0_i32 = arith.constant 0 : i32
    %c0_i32_0 = arith.constant 0 : i32
    return %arg0, %c0_i32, %arg1 : i32, i32, i32
  }
}

</mosaic_0001>

<sc_bundles>
// kernel: kernel.5.cloned.1.call-start
scs
__scs_entry_jumppad:
0x0: {  	(pc) =	sbr.rel $0x88, $3  }
0x1: {  	(tag) =	ssettag $0x0;
	lr =	simm.s32 $0x1  }
0x2: {  	[smem:$0x3F9F] =	sst lr;
	_ =	strace $0xD0000000  }
0x3: {  	_ = 	snop  }
0x4: {  	_ = 	snop  }
0x5: {  	_ = 	snop  }
0x6: {  	_ = 	snop  }
0x7: {  	_ = 	snop  }
__scs_overlays_trampoline_lowered:
0x8: {  	[smem:$0x3FAE] =	sst s0  }
0x9: {  	[smem:$0x3FAF] =	sst s1  }
0xa: {  	[smem:$0x3FB0] =	sst s2  }
0xb: {  	[smem:$0x3FB1] =	sst s3  }
0xc: {  	[smem:$0x3FB2] =	sst s4  }
0xd: {  	[smem:$0x3FB3] =	sst s5  }
0xe: {  	[smem:$0x3FB4] =	sst s6  }
0xf: {  	[smem:$0x3FB5] =	sst s7  }
0x10: {  	[smem:$0x3FB6] =	sst s8  }
0x11: {  	[smem:$0x3FB7] =	sst s9;
	s0 =	simm.s32 @!p0 $0x0  }
0x12: {  	s1 =	sld [smem:$0x3F9D];
	s0 =	simm.s32 @p0 $0x1  }
0x13: {  	[smem:$0x3FB8] =	sst s0;
	s0 =	simm.s32 @!p1 $0x0  }
0x14: {  	s2 =	sld [smem:$0x3F9C];
	s0 =	simm.s32 @p1 $0x1  }
0x15: {  	[smem:$0x3FB9] =	sst s0;
	s0 =	simm.s32 @!p2 $0x0  }
0x16: {  	s3 =	sld [smem:$0x3FDB];
	s0 =	simm.s32 @p2 $0x1  }
0x17: {  	s4 =	simm.s32 $0x1BF5;
	[smem:$0x3FBB] =	sst s0  }
0x18: {  	s0 =	sld [smem:$0x3F9E];
	_ =	swait.ge [sflag:s4], $0x0  }
0x19: {  	s7 =	sld [smem:$0x3F9F]  }
0x1a: {  	s8 =	sadd.s32 $0xFFFFE003, lr  }
0x1b: {  	s9 =	sadd.s32 $0xFFFFFEF7, lr;
	s5 =	simm.s32 $0xFFFFFFFF;
	p2 =	slt.u32 s8, $0xFFFFF086  }
0x1c: {  	p1 =	slt.u32 s9, $0xF7A;
	s5 =	simm.s32 @!p2 $0x0  }
0x1d: {  	s5 =	simm.s32 @p1 $0x1;
	p0 =	seq.s32 s7, s2  }
0x1e: {  	s7 =	smul.u32 @!p0 $0xF7A, s2;
	p2 =	seq.s32 @!p0 s5, $0x0  }
0x1f: {  	s9 =	smul.u32 $0xF7A, s1;
	s8 =	simm.s32 @!p0 $0x1BF5;
	p2 =	por !p2, p0  }
0x20: {  	[sflag:s8] =	ssyncset.s32 @!p0 $0xFFFFF086;
	s6 =	sadd.s32 @!p0 s3, s7;
	s7 =	simm.s32 @!p0 $0x108  }
0x21: {  	s3 =	sadd.s32 s3, s9;
	s6 =	sadd.s32 @!p0 $0x88, s6;
	s7 =	simm.s32 @p2 $0x1082  }
0x22: {  	[simem:s7], [sflag:s8] =	dma.local @!p0 [hbm:s6], $0xF7A  }
0x23: {  	s9 =	sor.u32 $0xD0000000, s2;
	s6 =	simm.s32 $0x108;
	_ =	swait.ge @!p0 [sflag:s8], $0x0  }
0x24: {  	s3 =	sadd.s32 $0x88, s3;
	s6 =	simm.s32 @!p1 $0x1082;
	[sflag:s4] =	ssyncset.s32 $0xFFFFF086  }
0x25: {  	[simem:s6], [sflag:s4] =	dma.local [hbm:s3], $0xF7A  }
0x26: {  	[smem:$0x3F9F] =	sst s1;
	(tag) =	ssettag s2;
	_ =	strace s9  }
0x27: {  	s1 =	sld [smem:$0x3FAF]  }
0x28: {  	s2 =	sld [smem:$0x3FB0]  }
0x29: {  	s4 =	sld [smem:$0x3FB2]  }
0x2a: {  	p0 =	seq.s32 s5, $0x0;
	s5 =	sld [smem:$0x3FB3]  }
0x2b: {  	s6 =	sld [smem:$0x3FB4]  }
0x2c: {  	s7 =	sld [smem:$0x3FB5]  }
0x2d: {  	s3 =	simm.s32 $0x108;
	s8 =	sld [smem:$0x3FB6]  }
0x2e: {  	s3 =	simm.s32 @!p0 $0x1082;
	s9 =	sld [smem:$0x3FB7]  }
0x2f: {  	lr =	sadd.s32 s0, s3;
	s0 =	sld [smem:$0x3FAE]  }
0x30: {  	s3 =	sld [smem:$0x3FB1]  }
0x31: {  	[smem:$0x3FBA] =	sst s10  }
0x32: {  	s10 =	sld [smem:$0x3FB8];
	_ =	sdelay $0x3  }
0x33: {  	p0 =	seq.s32 s10, $0x1;
	s10 =	sld [smem:$0x3FBA];
	_ =	sdelay $0x3  }
0x34: {  	[smem:$0x3FBA] =	sst s10  }
0x35: {  	s10 =	sld [smem:$0x3FB9];
	_ =	sdelay $0x3  }
0x36: {  	p1 =	seq.s32 s10, $0x1;
	s10 =	sld [smem:$0x3FBA];
	_ =	sdelay $0x3  }
0x37: {  	[smem:$0x3FBA] =	sst s10  }
0x38: {  	s10 =	sld [smem:$0x3FBB]  }
0x39: {  	_ = 	snop;
	(pc) =	sbr.ind lr, $3  }
0x3a: {  	_ = 	snop  }
0x3b: {  	_ = 	snop  }
0x3c: {  	p2 =	seq.s32 s10, $0x1;
	s10 =	sld [smem:$0x3FBA]  }
0x3d: {  	_ =	shalt  }
0x3e: {  	_ =	shalt  }
0x3f: {  	_ =	shalt  }
0x40: {  	_ =	shalt  }
0x41: {  	_ =	shalt  }
0x42: {  	_ =	shalt  }
0x43: {  	_ =	shalt  }
0x44: {  	_ =	shalt  }
0x45: {  	_ =	shalt  }
0x46: {  	_ =	shalt  }
0x47: {  	_ =	shalt  }
0x48: {  	_ =	shalt  }
0x49: {  	_ =	shalt  }
0x4a: {  	_ =	shalt  }
0x4b: {  	_ =	shalt  }
0x4c: {  	_ =	shalt  }
0x4d: {  	_ =	shalt  }
0x4e: {  	_ =	shalt  }
0x4f: {  	_ =	shalt  }
0x50: {  	_ =	shalt  }
0x51: {  	_ =	shalt  }
0x52: {  	_ =	shalt  }
0x53: {  	_ =	shalt  }
0x54: {  	_ =	shalt  }
0x55: {  	_ =	shalt  }
0x56: {  	_ =	shalt  }
0x57: {  	_ =	shalt  }
0x58: {  	_ =	shalt  }
0x59: {  	_ =	shalt  }
0x5a: {  	_ =	shalt  }
0x5b: {  	_ =	shalt  }
0x5c: {  	_ =	shalt  }
0x5d: {  	_ =	shalt  }
0x5e: {  	_ =	shalt  }
0x5f: {  	_ =	shalt  }
0x60: {  	_ =	shalt  }
0x61: {  	_ =	shalt  }
0x62: {  	_ =	shalt  }
0x63: {  	_ =	shalt  }
0x64: {  	_ =	shalt  }
0x65: {  	_ =	shalt  }
0x66: {  	_ =	shalt  }
0x67: {  	_ =	shalt  }
0x68: {  	_ =	shalt  }
0x69: {  	_ =	shalt  }
0x6a: {  	_ =	shalt  }
0x6b: {  	_ =	shalt  }
0x6c: {  	_ =	shalt  }
0x6d: {  	_ =	shalt  }
0x6e: {  	_ =	shalt  }
0x6f: {  	_ =	shalt  }
0x70: {  	_ =	shalt  }
0x71: {  	_ =	shalt  }
0x72: {  	_ =	shalt  }
0x73: {  	_ =	shalt  }
0x74: {  	_ =	shalt  }
0x75: {  	_ =	shalt  }
0x76: {  	_ =	shalt  }
0x77: {  	_ =	shalt  }
0x78: {  	_ =	shalt  }
0x79: {  	_ =	shalt  }
0x7a: {  	_ =	shalt  }
0x7b: {  	_ =	shalt  }
0x7c: {  	_ =	shalt  }
0x7d: {  	_ =	shalt  }
0x7e: {  	_ =	shalt  }
0x7f: {  	_ =	shalt  }
0x80: {  	_ =	shalt  }
0x81: {  	_ =	shalt  }
0x82: {  	_ =	shalt  }
0x83: {  	_ =	shalt  }
0x84: {  	_ =	shalt  }
0x85: {  	_ =	shalt  }
0x86: {  	_ =	shalt  }
0x87: {  	_ =	shalt  }
.Lfunc_end0:
.L_simem_size_0:
called_computation_lowered:
.L_overlay_start_0:
0x88: {  	s2 =	sld [smem:$0x3FD9]  }
0x89: {  	s3 =	sld [smem:$0x3FFE];
	_ =	sdelay $0x1  }
0x8a: {  	s1 =	srdreg.scid  }
0x8b: {  	s0 =	sand.u32 $0x1, s1  }
0x8c: {  	s17 =	sshll.u32 s0, $0xA;
	s2 =	sadd.s32 s3, s2  }
0x8d: {  	s2 =	sadd.s32 s2, s17  }
0x8e: {  	[smem:$0x3FC6] =	sst s2  }
0x8f: {  	_ = 	snop  }
0x90: {  	s2 =	sld [smem:$0x3FC9];
	(tm) =	ssettm $0x1  }
0x91: {  	s18 =	sld [smem:$0x3FFB];
	_ =	sdelay $0x3  }
0x92: {  	_ =	strace s18  }
0x93: {  	s3 =	sld [smem:$0x3FFC];
	_ =	sdelay $0x3  }
0x94: {  	_ =	strace s3  }
0x95: {  	s3 =	sld [smem:$0x3FFD];
	_ =	sdelay $0x3  }
0x96: {  	_ =	strace s3  }
0x97: {  	_ =	strace $0x8FFFFFFF  }
0x98: {  	s19 =	sld [smem:$0x3FDB];
	_ =	sdelay $0x1  }
0x99: {  	s4 =	simm.s32 $_scs_section_size  }
0x9a: {  	s5 =	simm.s32 $_size__tile_overlayer_lowered;
	s6 =	simm.s32 $_tile_overlayer_lowered  }
0x9b: {  	s22 =	simm.s32 $0x1BFF;
	s21 =	sshll.u32 s6, $0x1;
	s3 =	sadd.s32 s4, s19  }
0x9c: {  	s7 =	simm.s32 $0x0;
	s20 =	sshll.u32 s5, $0x1;
	s5 =	sadd.s32 s21, s3  }
0x9d: {  	[timem:s7], [sflag:s22] =	dma.local [hbm:s5], s20  }
0x9e: {  	_ =	swait.ge [sflag:s22], s20  }
0x9f: {  	s4 =	ssub.s32 $0x0, s20;
	[sflag:s22] =	ssyncset.done $0x0  }
0xa0: {  	[sflag:s22] =	ssyncadd.s32 s4;
	_ =	sdelay $0x1  }
0xa1: {  	s23 =	simm.s32 $0x1B8B  }
0xa2: {  	_ =	swait.ge [sflag:s23], $0x1  }
0xa3: {  	[sflag:s23] =	ssyncset.done $0x0  }
0xa4: {  	s25 =	simm.s32 $0x1B8E;
	s24 =	sld [smem:$0x3FFE];
	[sflag:s23] =	ssyncadd.s32 $0xFFFFFFFF  }
0xa5: {  	s26 =	simm.s32 $execute0_lowered;
	[smem:$0x3FD2] =	sst s25  }
0xa6: {  	s5 =	sshll.u32 s26, $0x1;
	_ =	strace $0x80000046;
	[dreg:$0x1] =	wrdreg $0xFFFFFFFF  }
0xa7: {  	s28 =	simm.s32 $_size_execute0_lowered;
	s3 =	sadd.s32 s3, s5;
	[dreg:$0x0] =	wrdreg $0x0  }
0xa8: {  	s5 =	sshll.u32 s28, $0x1;
	[dreg:$0x2] =	wrdreg s3  }
0xa9: {  	[dreg:$0x3] =	wrdreg s5  }
0xaa: {  	[dreg:$0x4] =	wrdreg $0xC0  }
0xab: {  	_ =	task [dreg:s7], $0x5FFFF  }
0xac: {  	[dreg:$0x1] =	wrdreg $0xFFFFFFFF  }
0xad: {  	[dreg:$0x0] =	wrdreg $0x60  }
0xae: {  	[dreg:$0x2] =	wrdreg s2  }
0xaf: {  	[dreg:$0x3] =	wrdreg s24  }
0xb0: {  	[dreg:$0x4] =	wrdreg $0x9  }
0xb1: {  	_ =	task.clear_ibuf [dreg:s7], $0x5FFFF;
	_ =	strace $0x90000046  }
0xb2: {  	s29 =	simm.s32 $0x9;
	_ =	strace $0x80000048  }
0xb3: {  	_ =	swait.ge [sflag:s29], $0x1  }
0xb4: {  	[sflag:s29] =	ssyncadd.s32 $0xFFFFFFFF  }
0xb5: {  	_ =	strace $0x90000048  }
0xb6: {  	_ =	sfence  }
0xb7: {  	s30 =	sld [smem:$0x0];
	_ =	sdelay $0x2  }
0xb8: {  	s31 =	sshll.u32 s1, $0xD;
	s1 =	sshrl.u32 s1, $0x2  }
0xb9: {  	s3 =	sand.u32 $0x4000, s31;
	s1 =	sadd.s32 s1, s30  }
0xba: {  	s0 =	sor.u32 s3, s0;
	s1 =	sshll.u32 s1, $0x11  }
0xbb: {  	s0 =	sor.u32 s1, s0  }
0xbc: {  	s0 =	sadd.s32 $0x8F2B, s0  }
0xbd: {  	[sflag:s0] =	ssyncadd.remote.s32 $0x1  }
0xbe: {  	_ =	sfence.sel $0xFFFF  }
0xbf: {  	[dreg:$0x0] =	wrdreg $0xFFFFFFFF;
	(pc) =	sbr.abs _section_cstart, $3  }
0xc0: {  	[dreg:$0x1] =	wrdreg $0xFFFFFFFF  }
0xc1: {  	_ =	task.clear_ibuf [dreg:s7], $0x2FFFF;
	_ =	strace $0x9FFFFFFF  }
0xc2: {  	(tm) =	ssettm $0x7FFFFFFF  }
0xc3: {  	_ =	shalt  }
tec
execute0_lowered:
.L_overlay_start_1:
0x0: {  	(tag) =	ssettag $0x1  }
0x1: {  	s1 =	rddreg [dreg:$0x0]  }
0x2: {  	s0 =	rddreg [dreg:$0x1];
	s3 =	simm.s32 $0x0;
	s2 =	srdreg.scid  }
0x3: {  	s4 =	stileid.u32;
	s15 =	simm.s32 $0x2;
	s16 =	simm.s32 $0x200  }
0x4: {  	s17 =	simm.s32 $0x80;
	s18 =	simm.s32 $0x280;
	s19 =	simm.s32 $0x100  }
0x5: {  	s20 =	simm.s32 $0x300;
	s21 =	simm.s32 $0x180;
	s22 =	simm.s32 $0x380  }
0x6: {  	s23 =	simm.s32 $0x400;
	s24 =	simm.s32 $0x4400;
	s25 =	simm.s32 $0x1  }
0x7: {  	s26 =	simm.s32 $0x8400;
	s14 =	simm.s32 $0x0;
	[smem:$0x7FF] =	sst s3  }
0x8: {  	s2 =	sand.u32 $0x1, s2;
	s5 =	sshll.u32 s4, $0xA;
	s4 =	sadd.s32 $0x400, s0  }
0x9: {  	_ =	strace $0x80000047;
	s6 =	ssub.s32 $0x2, s2;
	s2 =	sshll.u32 s2, $0x9  }
0xa: {  	s7 =	sshrl.u32 s6, $0x1;
	s2 =	sor.u32 s2, s5;
	s5 =	sadd.s32 $0xF42800, s0  }
0xb: {  	s31 =	ssub.s32 s6, s7;
	s6 =	sshll.u32 s2, $0x3;
	s11 =	sor.u32 $0x80, s2  }
0xc: {  	s12 =	sor.u32 $0x100, s2;
	s13 =	sor.u32 $0x180, s2;
	s10 =	sshll.u32 s2, $0x7  }
0xd: {  	s2 =	simm.s32 $0x0;
	s7 =	sshll.u32 s11, $0x3;
	s8 =	sshll.u32 s12, $0x3  }
0xe: {  	s9 =	sshll.u32 s13, $0x3;
	s11 =	sshll.u32 s11, $0x7;
	s0 =	smax.u32 s31, $0x1  }
0xf: {  	s12 =	sshll.u32 s12, $0x7;
	s13 =	sshll.u32 s13, $0x7;
	[dreg:$0x3] =	wrdreg s0  }
.LBB2_1:
0x10: {  	[dreg:$0x4] =	wrdreg s2;
	s29 =	simm.s32 $0x0  }
.LBB2_2:
0x11: {  	s0 =	sshll.u32 s29, $0xF  }
0x12: {  	s2 =	sshll.u32 s29, $0x8;
	s0 =	sand.u32 $0xE0000, s0  }
0x13: {  	s2 =	sand.u32 $0x300, s2;
	s30 =	sor.u32 s6, s0  }
0x14: {  	s31 =	sor.u32 s2, s30  }
0x15: {  	s31 =	sshrl.u32 s31, $0x3  }
0x16: {  	s31 =	sadd.s32 s1, s31  }
0x17: {  	[tilespmem:s14], [sflag:$0x2] =	stream.linear.gather [hbm4b:s31+s14], $0x80, $0x38;
	[tilespmem:$0xC400] =	vst v63  }
0x18: {  	s31 =	sor.u32 $0x80, s2  }
0x19: {  	_ =	swait.ge [sflag:s15], $0x80;
	s30 =	sor.u32 s31, s30  }
0x1a: {  	[sflag:s15] =	ssyncset.done $0x0;
	s30 =	sshrl.u32 s30, $0x3  }
0x1b: {  	[sflag:s15] =	ssyncadd.s32 $0xFFFFFF80;
	s30 =	sadd.s32 s1, s30  }
0x1c: {  	[tilespmem:s16], [sflag:$0x2] =	stream.linear.gather [hbm4b:s30+s14], $0x80, $0x38;
	[tilespmem:$0xC400] =	vst v63  }
0x1d: {  	s30 =	sor.u32 s7, s0  }
0x1e: {  	_ =	swait.ge [sflag:s15], $0x80;
	s28 =	sor.u32 s2, s30  }
0x1f: {  	[sflag:s15] =	ssyncset.done $0x0;
	s28 =	sshrl.u32 s28, $0x3  }
0x20: {  	[sflag:s15] =	ssyncadd.s32 $0xFFFFFF80;
	s28 =	sadd.s32 s1, s28  }
0x21: {  	[tilespmem:s17], [sflag:$0x2] =	stream.linear.gather [hbm4b:s28+s14], $0x80, $0x38;
	[tilespmem:$0xC400] =	vst v63  }
0x22: {  	s28 =	sor.u32 s31, s30;
	_ =	swait.ge [sflag:s15], $0x80  }
0x23: {  	s28 =	sshrl.u32 s28, $0x3;
	[sflag:s15] =	ssyncset.done $0x0  }
0x24: {  	s28 =	sadd.s32 s1, s28;
	[sflag:s15] =	ssyncadd.s32 $0xFFFFFF80  }
0x25: {  	[tilespmem:s18], [sflag:$0x2] =	stream.linear.gather [hbm4b:s28+s14], $0x80, $0x38;
	[tilespmem:$0xC400] =	vst v63  }
0x26: {  	s28 =	sor.u32 s8, s0  }
0x27: {  	_ =	swait.ge [sflag:s15], $0x80;
	s30 =	sor.u32 s2, s28  }
0x28: {  	[sflag:s15] =	ssyncset.done $0x0;
	s30 =	sshrl.u32 s30, $0x3  }
0x29: {  	[sflag:s15] =	ssyncadd.s32 $0xFFFFFF80;
	s30 =	sadd.s32 s1, s30  }
0x2a: {  	[tilespmem:s19], [sflag:$0x2] =	stream.linear.gather [hbm4b:s30+s14], $0x80, $0x38;
	[tilespmem:$0xC400] =	vst v63  }
0x2b: {  	s28 =	sor.u32 s31, s28;
	_ =	swait.ge [sflag:s15], $0x80  }
0x2c: {  	s28 =	sshrl.u32 s28, $0x3;
	[sflag:s15] =	ssyncset.done $0x0  }
0x2d: {  	s0 =	sor.u32 s9, s0;
	s28 =	sadd.s32 s1, s28;
	[sflag:s15] =	ssyncadd.s32 $0xFFFFFF80  }
0x2e: {  	[tilespmem:s20], [sflag:$0x2] =	stream.linear.gather [hbm4b:s28+s14], $0x80, $0x38;
	[tilespmem:$0xC400] =	vst v63  }
0x2f: {  	s2 =	sor.u32 s2, s0;
	_ =	swait.ge [sflag:s15], $0x80  }
0x30: {  	s2 =	sshrl.u32 s2, $0x3;
	[sflag:s15] =	ssyncset.done $0x0  }
0x31: {  	s2 =	sadd.s32 s1, s2;
	[sflag:s15] =	ssyncadd.s32 $0xFFFFFF80  }
0x32: {  	[tilespmem:s21], [sflag:$0x2] =	stream.linear.gather [hbm4b:s2+s14], $0x80, $0x38;
	[tilespmem:$0xC400] =	vst v63  }
0x33: {  	s0 =	sor.u32 s31, s0;
	_ =	swait.ge [sflag:s15], $0x80  }
0x34: {  	s0 =	sshrl.u32 s0, $0x3;
	[sflag:s15] =	ssyncset.done $0x0  }
0x35: {  	s0 =	sadd.s32 s1, s0;
	[sflag:s15] =	ssyncadd.s32 $0xFFFFFF80  }
0x36: {  	[tilespmem:s22], [sflag:$0x2] =	stream.linear.gather [hbm4b:s0+s14], $0x80, $0x38;
	[tilespmem:$0xC400] =	vst v63  }
0x37: {  	_ =	swait.ge [sflag:s15], $0x80  }
0x38: {  	[sflag:s15] =	ssyncset.done $0x0  }
0x39: {  	[sflag:s15] =	ssyncadd.s32 $0xFFFFFF80  }
0x3a: {  	[tilespmem:s23], [sflag:$0x1] =	stream.indirect.gather [hbm4b:s4+s17], $0x80, s14, s17, $0xb8;
	[tilespmem:$0xC400] =	vst v63  }
0x3b: {  	_ = 	snop  }
0x3c: {  	[tilespmem:s24], [sflag:$0x1] =	stream.indirect.gather [hbm4b:s4+s17], $0x80, s16, s17, $0xb8;
	[tilespmem:$0xC400] =	vst v63  }
0x3d: {  	_ =	swait.ge [sflag:s25], $0x4000  }
0x3e: {  	[sflag:s25] =	ssyncset.done $0x0  }
0x3f: {  	[sflag:s25] =	ssyncadd.s32 $0xFFFFC000  }
0x40: {  	_ =	swait.ge [sflag:s25], $0x4000  }
0x41: {  	[sflag:s25] =	ssyncset.done $0x0  }
0x42: {  	s30 =	simm.s32 $0x0;
	[sflag:s25] =	ssyncadd.s32 $0xFFFFC000  }
0x43: {  	v3 =	vld [tilespmem:s30+$0x4430]  }
0x44: {  	v4 =	vld [tilespmem:s30+$0x400]  }
0x45: {  	v5 =	vld [tilespmem:s30+$0x4400]  }
0x46: {  	v2 =	vld [tilespmem:s30+$0x410]  }
0x47: {  	v0 =	vld [tilespmem:s30+$0x4410]  }
0x48: {  	v1 =	vld [tilespmem:s30+$0x420];
	[tilespmem:s30+$0x8470] =	vst v3  }
0x49: {  	[tilespmem:s30+$0x8400] =	vst v4;
	v3 =	vld [tilespmem:s30+$0x4420]  }
0x4a: {  	s31 =	simm.s32 $0x80;
	s0 =	simm.s32 $0x400;
	[tilespmem:s30+$0x8440] =	vst v5;
	v4 =	vld [tilespmem:s30+$0x430]  }
.LBB2_3:
0x4b: {  	p0 =	sne.s32 s0, $0xFE00;
	v5 =	vld [tilespmem:s31+$0x4430];
	[tilespmem:s30+$0x8410] =	vst v2  }
0x4c: {  	v6 =	vld [tilespmem:s31+$0x400];
	[tilespmem:s30+$0x8450] =	vst v0  }
0x4d: {  	v7 =	vld [tilespmem:s31+$0x4400];
	[tilespmem:s30+$0x8420] =	vst v1  }
.Ltmp0:
0x4e: {  	v2 =	vld [tilespmem:s31+$0x410];
	[tilespmem:s30+$0x8460] =	vst v3;
	(pc) =	sbr.rel @p0 .LBB2_3-.Ltmp0, $4  }
0x4f: {  	v0 =	vld [tilespmem:s31+$0x4410];
	[tilespmem:s30+$0x8430] =	vst v4;
	s30 =	smov.u32 s31  }
0x50: {  	v1 =	vld [tilespmem:s30+$0x420];
	[tilespmem:s30+$0x8470] =	vst v5  }
0x51: {  	[tilespmem:s30+$0x8400] =	vst v6;
	v3 =	vld [tilespmem:s30+$0x4420]  }
0x52: {  	s31 =	sshra.s32 s0, $0x2;
	s0 =	sadd.s32 $0x200, s0;
	[tilespmem:s30+$0x8440] =	vst v7;
	v4 =	vld [tilespmem:s30+$0x430]  }
0x53: {  	v5 =	vld [tilespmem:s31+$0x4430];
	[tilespmem:s30+$0x8410] =	vst v2  }
0x54: {  	v2 =	vld [tilespmem:s31+$0x400];
	[tilespmem:s30+$0x8450] =	vst v0  }
0x55: {  	v0 =	vld [tilespmem:s31+$0x4400];
	[tilespmem:s30+$0x8420] =	vst v1  }
0x56: {  	v1 =	vld [tilespmem:s31+$0x410];
	[tilespmem:s30+$0x8460] =	vst v3  }
0x57: {  	v3 =	vld [tilespmem:s31+$0x4410];
	[tilespmem:s30+$0x8430] =	vst v4  }
0x58: {  	v4 =	vld [tilespmem:s31+$0x420];
	[tilespmem:s31+$0x8470] =	vst v5  }
0x59: {  	[tilespmem:s31+$0x8400] =	vst v2;
	v2 =	vld [tilespmem:s31+$0x4420]  }
0x5a: {  	[tilespmem:s31+$0x8440] =	vst v0;
	v0 =	vld [tilespmem:s31+$0x430]  }
0x5b: {  	[tilespmem:s31+$0x8410] =	vst v1  }
0x5c: {  	s30 =	sshll.u32 s29, $0x15;
	[tilespmem:s31+$0x8450] =	vst v3  }
0x5d: {  	s0 =	sor.u32 s10, s30;
	[tilespmem:s31+$0x8420] =	vst v4  }
0x5e: {  	s0 =	sshrl.u32 s0, $0x3;
	[tilespmem:s31+$0x8460] =	vst v2  }
0x5f: {  	s2 =	simm.s32 $0x0;
	s0 =	sadd.s32 s5, s0;
	[tilespmem:s31+$0x8430] =	vst v0  }
0x60: {  	[hbm4b:s0+s2] =	stream.linear.scatter [tilespmem:s26], [sflag:$0x2], $0x4000, $0x38;
	[tilespmem:$0xC400] =	vst v63  }
0x61: {  	_ =	swait.ge [sflag:s15], $0x4000  }
0x62: {  	[sflag:s15] =	ssyncset.done $0x0  }
0x63: {  	[sflag:s15] =	ssyncadd.s32 $0xFFFFC000  }
0x64: {  	[tilespmem:s23], [sflag:$0x1] =	stream.indirect.gather [hbm4b:s4+s17], $0x80, s17, s17, $0xb8;
	[tilespmem:$0xC400] =	vst v63  }
0x65: {  	_ = 	snop  }
0x66: {  	[tilespmem:s24], [sflag:$0x1] =	stream.indirect.gather [hbm4b:s4+s17], $0x80, s18, s17, $0xb8;
	[tilespmem:$0xC400] =	vst v63  }
0x67: {  	_ =	swait.ge [sflag:s25], $0x4000  }
0x68: {  	[sflag:s25] =	ssyncset.done $0x0  }
0x69: {  	[sflag:s25] =	ssyncadd.s32 $0xFFFFC000  }
0x6a: {  	_ =	swait.ge [sflag:s25], $0x4000  }
0x6b: {  	[sflag:s25] =	ssyncset.done $0x0  }
0x6c: {  	s31 =	simm.s32 $0x0;
	[sflag:s25] =	ssyncadd.s32 $0xFFFFC000  }
0x6d: {  	v3 =	vld [tilespmem:s31+$0x4430]  }
0x6e: {  	v4 =	vld [tilespmem:s31+$0x400]  }
0x6f: {  	v5 =	vld [tilespmem:s31+$0x4400]  }
0x70: {  	v2 =	vld [tilespmem:s31+$0x410]  }
0x71: {  	v0 =	vld [tilespmem:s31+$0x4410]  }
0x72: {  	v1 =	vld [tilespmem:s31+$0x420];
	[tilespmem:s31+$0x8470] =	vst v3  }
0x73: {  	[tilespmem:s31+$0x8400] =	vst v4;
	v3 =	vld [tilespmem:s31+$0x4420]  }
0x74: {  	s0 =	simm.s32 $0x80;
	s2 =	simm.s32 $0x400;
	[tilespmem:s31+$0x8440] =	vst v5;
	v4 =	vld [tilespmem:s31+$0x430]  }
.LBB2_5:
0x75: {  	p0 =	sne.s32 s2, $0xFE00;
	v5 =	vld [tilespmem:s0+$0x4430];
	[tilespmem:s31+$0x8410] =	vst v2  }
0x76: {  	v6 =	vld [tilespmem:s0+$0x400];
	[tilespmem:s31+$0x8450] =	vst v0  }
0x77: {  	v7 =	vld [tilespmem:s0+$0x4400];
	[tilespmem:s31+$0x8420] =	vst v1  }
.Ltmp1:
0x78: {  	v2 =	vld [tilespmem:s0+$0x410];
	[tilespmem:s31+$0x8460] =	vst v3;
	(pc) =	sbr.rel @p0 .LBB2_5-.Ltmp1, $4  }
0x79: {  	v0 =	vld [tilespmem:s0+$0x4410];
	[tilespmem:s31+$0x8430] =	vst v4;
	s31 =	smov.u32 s0  }
0x7a: {  	v1 =	vld [tilespmem:s31+$0x420];
	[tilespmem:s31+$0x8470] =	vst v5  }
0x7b: {  	[tilespmem:s31+$0x8400] =	vst v6;
	v3 =	vld [tilespmem:s31+$0x4420]  }
0x7c: {  	s0 =	sshra.s32 s2, $0x2;
	s2 =	sadd.s32 $0x200, s2;
	[tilespmem:s31+$0x8440] =	vst v7;
	v4 =	vld [tilespmem:s31+$0x430]  }
0x7d: {  	v5 =	vld [tilespmem:s0+$0x4430];
	[tilespmem:s31+$0x8410] =	vst v2  }
0x7e: {  	v2 =	vld [tilespmem:s0+$0x400];
	[tilespmem:s31+$0x8450] =	vst v0  }
0x7f: {  	v0 =	vld [tilespmem:s0+$0x4400];
	[tilespmem:s31+$0x8420] =	vst v1  }
0x80: {  	v1 =	vld [tilespmem:s0+$0x410];
	[tilespmem:s31+$0x8460] =	vst v3  }
0x81: {  	v3 =	vld [tilespmem:s0+$0x4410];
	[tilespmem:s31+$0x8430] =	vst v4  }
0x82: {  	v4 =	vld [tilespmem:s0+$0x420];
	[tilespmem:s0+$0x8470] =	vst v5  }
0x83: {  	[tilespmem:s0+$0x8400] =	vst v2;
	v2 =	vld [tilespmem:s0+$0x4420]  }
0x84: {  	[tilespmem:s0+$0x8440] =	vst v0;
	v0 =	vld [tilespmem:s0+$0x430]  }
0x85: {  	[tilespmem:s0+$0x8410] =	vst v1  }
0x86: {  	[tilespmem:s0+$0x8450] =	vst v3  }
0x87: {  	s2 =	sor.u32 s11, s30;
	[tilespmem:s0+$0x8420] =	vst v4  }
0x88: {  	s2 =	sshrl.u32 s2, $0x3;
	[tilespmem:s0+$0x8460] =	vst v2  }
0x89: {  	s28 =	simm.s32 $0x0;
	s2 =	sadd.s32 s5, s2;
	[tilespmem:s0+$0x8430] =	vst v0  }
0x8a: {  	[hbm4b:s2+s28] =	stream.linear.scatter [tilespmem:s26], [sflag:$0x2], $0x4000, $0x38;
	[tilespmem:$0xC400] =	vst v63  }
0x8b: {  	_ =	swait.ge [sflag:s15], $0x4000  }
0x8c: {  	[sflag:s15] =	ssyncset.done $0x0  }
0x8d: {  	[sflag:s15] =	ssyncadd.s32 $0xFFFFC000  }
0x8e: {  	[tilespmem:s23], [sflag:$0x1] =	stream.indirect.gather [hbm4b:s4+s17], $0x80, s19, s17, $0xb8;
	[tilespmem:$0xC400] =	vst v63  }
0x8f: {  	_ = 	snop  }
0x90: {  	[tilespmem:s24], [sflag:$0x1] =	stream.indirect.gather [hbm4b:s4+s17], $0x80, s20, s17, $0xb8;
	[tilespmem:$0xC400] =	vst v63  }
0x91: {  	_ =	swait.ge [sflag:s25], $0x4000  }
0x92: {  	[sflag:s25] =	ssyncset.done $0x0  }
0x93: {  	[sflag:s25] =	ssyncadd.s32 $0xFFFFC000  }
0x94: {  	_ =	swait.ge [sflag:s25], $0x4000  }
0x95: {  	[sflag:s25] =	ssyncset.done $0x0  }
0x96: {  	s31 =	simm.s32 $0x0;
	[sflag:s25] =	ssyncadd.s32 $0xFFFFC000  }
0x97: {  	v3 =	vld [tilespmem:s31+$0x4430]  }
0x98: {  	v4 =	vld [tilespmem:s31+$0x400]  }
0x99: {  	v5 =	vld [tilespmem:s31+$0x4400]  }
0x9a: {  	v2 =	vld [tilespmem:s31+$0x410]  }
0x9b: {  	v0 =	vld [tilespmem:s31+$0x4410]  }
0x9c: {  	v1 =	vld [tilespmem:s31+$0x420];
	[tilespmem:s31+$0x8470] =	vst v3  }
0x9d: {  	[tilespmem:s31+$0x8400] =	vst v4;
	v3 =	vld [tilespmem:s31+$0x4420]  }
0x9e: {  	s0 =	simm.s32 $0x80;
	s2 =	simm.s32 $0x400;
	[tilespmem:s31+$0x8440] =	vst v5;
	v4 =	vld [tilespmem:s31+$0x430]  }
.LBB2_7:
0x9f: {  	p0 =	sne.s32 s2, $0xFE00;
	v5 =	vld [tilespmem:s0+$0x4430];
	[tilespmem:s31+$0x8410] =	vst v2  }
0xa0: {  	v6 =	vld [tilespmem:s0+$0x400];
	[tilespmem:s31+$0x8450] =	vst v0  }
0xa1: {  	v7 =	vld [tilespmem:s0+$0x4400];
	[tilespmem:s31+$0x8420] =	vst v1  }
.Ltmp2:
0xa2: {  	v2 =	vld [tilespmem:s0+$0x410];
	[tilespmem:s31+$0x8460] =	vst v3;
	(pc) =	sbr.rel @p0 .LBB2_7-.Ltmp2, $4  }
0xa3: {  	v0 =	vld [tilespmem:s0+$0x4410];
	[tilespmem:s31+$0x8430] =	vst v4;
	s31 =	smov.u32 s0  }
0xa4: {  	v1 =	vld [tilespmem:s31+$0x420];
	[tilespmem:s31+$0x8470] =	vst v5  }
0xa5: {  	[tilespmem:s31+$0x8400] =	vst v6;
	v3 =	vld [tilespmem:s31+$0x4420]  }
0xa6: {  	s0 =	sshra.s32 s2, $0x2;
	s2 =	sadd.s32 $0x200, s2;
	[tilespmem:s31+$0x8440] =	vst v7;
	v4 =	vld [tilespmem:s31+$0x430]  }
0xa7: {  	v5 =	vld [tilespmem:s0+$0x4430];
	[tilespmem:s31+$0x8410] =	vst v2  }
0xa8: {  	v2 =	vld [tilespmem:s0+$0x400];
	[tilespmem:s31+$0x8450] =	vst v0  }
0xa9: {  	v0 =	vld [tilespmem:s0+$0x4400];
	[tilespmem:s31+$0x8420] =	vst v1  }
0xaa: {  	v1 =	vld [tilespmem:s0+$0x410];
	[tilespmem:s31+$0x8460] =	vst v3  }
0xab: {  	v3 =	vld [tilespmem:s0+$0x4410];
	[tilespmem:s31+$0x8430] =	vst v4  }
0xac: {  	v4 =	vld [tilespmem:s0+$0x420];
	[tilespmem:s0+$0x8470] =	vst v5  }
0xad: {  	[tilespmem:s0+$0x8400] =	vst v2;
	v2 =	vld [tilespmem:s0+$0x4420]  }
0xae: {  	[tilespmem:s0+$0x8440] =	vst v0;
	v0 =	vld [tilespmem:s0+$0x430]  }
0xaf: {  	[tilespmem:s0+$0x8410] =	vst v1  }
0xb0: {  	[tilespmem:s0+$0x8450] =	vst v3  }
0xb1: {  	s2 =	sor.u32 s12, s30;
	[tilespmem:s0+$0x8420] =	vst v4  }
0xb2: {  	s2 =	sshrl.u32 s2, $0x3;
	[tilespmem:s0+$0x8460] =	vst v2  }
0xb3: {  	s28 =	simm.s32 $0x0;
	s2 =	sadd.s32 s5, s2;
	[tilespmem:s0+$0x8430] =	vst v0  }
0xb4: {  	[hbm4b:s2+s28] =	stream.linear.scatter [tilespmem:s26], [sflag:$0x2], $0x4000, $0x38;
	[tilespmem:$0xC400] =	vst v63  }
0xb5: {  	_ =	swait.ge [sflag:s15], $0x4000  }
0xb6: {  	[sflag:s15] =	ssyncset.done $0x0  }
0xb7: {  	[sflag:s15] =	ssyncadd.s32 $0xFFFFC000  }
0xb8: {  	[tilespmem:s23], [sflag:$0x1] =	stream.indirect.gather [hbm4b:s4+s17], $0x80, s21, s17, $0xb8;
	[tilespmem:$0xC400] =	vst v63  }
0xb9: {  	_ = 	snop  }
0xba: {  	[tilespmem:s24], [sflag:$0x1] =	stream.indirect.gather [hbm4b:s4+s17], $0x80, s22, s17, $0xb8;
	[tilespmem:$0xC400] =	vst v63  }
0xbb: {  	_ =	swait.ge [sflag:s25], $0x4000  }
0xbc: {  	[sflag:s25] =	ssyncset.done $0x0  }
0xbd: {  	[sflag:s25] =	ssyncadd.s32 $0xFFFFC000  }
0xbe: {  	_ =	swait.ge [sflag:s25], $0x4000  }
0xbf: {  	[sflag:s25] =	ssyncset.done $0x0  }
0xc0: {  	s31 =	simm.s32 $0x0;
	[sflag:s25] =	ssyncadd.s32 $0xFFFFC000  }
0xc1: {  	v3 =	vld [tilespmem:s31+$0x4430]  }
0xc2: {  	v4 =	vld [tilespmem:s31+$0x400]  }
0xc3: {  	v5 =	vld [tilespmem:s31+$0x4400]  }
0xc4: {  	v2 =	vld [tilespmem:s31+$0x410]  }
0xc5: {  	v0 =	vld [tilespmem:s31+$0x4410]  }
0xc6: {  	v1 =	vld [tilespmem:s31+$0x420];
	[tilespmem:s31+$0x8470] =	vst v3  }
0xc7: {  	[tilespmem:s31+$0x8400] =	vst v4;
	v3 =	vld [tilespmem:s31+$0x4420]  }
0xc8: {  	s0 =	simm.s32 $0x80;
	s2 =	simm.s32 $0x400;
	[tilespmem:s31+$0x8440] =	vst v5;
	v4 =	vld [tilespmem:s31+$0x430]  }
.LBB2_9:
0xc9: {  	p0 =	sne.s32 s2, $0xFE00;
	v5 =	vld [tilespmem:s0+$0x4430];
	[tilespmem:s31+$0x8410] =	vst v2  }
0xca: {  	v6 =	vld [tilespmem:s0+$0x400];
	[tilespmem:s31+$0x8450] =	vst v0  }
0xcb: {  	v7 =	vld [tilespmem:s0+$0x4400];
	[tilespmem:s31+$0x8420] =	vst v1  }
.Ltmp3:
0xcc: {  	v2 =	vld [tilespmem:s0+$0x410];
	[tilespmem:s31+$0x8460] =	vst v3;
	(pc) =	sbr.rel @p0 .LBB2_9-.Ltmp3, $4  }
0xcd: {  	v0 =	vld [tilespmem:s0+$0x4410];
	[tilespmem:s31+$0x8430] =	vst v4;
	s31 =	smov.u32 s0  }
0xce: {  	v1 =	vld [tilespmem:s31+$0x420];
	[tilespmem:s31+$0x8470] =	vst v5  }
0xcf: {  	[tilespmem:s31+$0x8400] =	vst v6;
	v3 =	vld [tilespmem:s31+$0x4420]  }
0xd0: {  	s0 =	sshra.s32 s2, $0x2;
	s2 =	sadd.s32 $0x200, s2;
	[tilespmem:s31+$0x8440] =	vst v7;
	v4 =	vld [tilespmem:s31+$0x430]  }
0xd1: {  	v5 =	vld [tilespmem:s0+$0x4430];
	[tilespmem:s31+$0x8410] =	vst v2  }
0xd2: {  	v2 =	vld [tilespmem:s0+$0x400];
	[tilespmem:s31+$0x8450] =	vst v0  }
0xd3: {  	v0 =	vld [tilespmem:s0+$0x4400];
	[tilespmem:s31+$0x8420] =	vst v1  }
0xd4: {  	v1 =	vld [tilespmem:s0+$0x410];
	[tilespmem:s31+$0x8460] =	vst v3  }
0xd5: {  	v3 =	vld [tilespmem:s0+$0x4410];
	[tilespmem:s31+$0x8430] =	vst v4  }
0xd6: {  	v4 =	vld [tilespmem:s0+$0x420];
	[tilespmem:s0+$0x8470] =	vst v5  }
0xd7: {  	v62 =	vld [tilespmem:s0+$0x4420];
	[tilespmem:s0+$0x8400] =	vst v2  }
0xd8: {  	v63 =	vld [tilespmem:s0+$0x430];
	[tilespmem:s0+$0x8440] =	vst v0  }
0xd9: {  	[tilespmem:s0+$0x8410] =	vst v1  }
0xda: {  	[tilespmem:s0+$0x8450] =	vst v3  }
0xdb: {  	s2 =	sor.u32 s13, s30;
	s29 =	sadd.s32 $0x1, s29;
	[tilespmem:s0+$0x8420] =	vst v4  }
0xdc: {  	s2 =	sshrl.u32 s2, $0x3;
	p0 =	sne.s32 s29, $0x19;
	[tilespmem:s0+$0x8460] =	vst v62  }
.Ltmp4:
0xdd: {  	s31 =	sadd.s32 s5, s2;
	[tilespmem:s0+$0x8430] =	vst v63;
	(pc) =	sbr.rel @p0 .LBB2_2-.Ltmp4, $4  }
0xde: {  	[hbm4b:s31+s3] =	stream.linear.scatter [tilespmem:s26], [sflag:$0x2], $0x4000, $0x38;
	[tilespmem:$0xC400] =	vst v63  }
0xdf: {  	_ =	swait.ge [sflag:s15], $0x4000  }
0xe0: {  	[sflag:s15] =	ssyncset.done $0x0  }
0xe1: {  	[sflag:s15] =	ssyncadd.s32 $0xFFFFC000  }
0xe2: {  	s2 =	rddreg [dreg:$0x4]  }
0xe3: {  	s0 =	rddreg [dreg:$0x3];
	s2 =	sadd.s32 $0x1, s2  }
0xe4: {  	p0 =	sne.s32 s2, s0  }
.Ltmp5:
0xe5: {  	_ = 	snop;
	(pc) =	sbr.rel @p0 .LBB2_1-.Ltmp5, $1  }
0xe6: {  	_ =	sdelay $0x3  }
0xe7: {  	_ =	sfence.sel $0x180000  }
0xe8: {  	[bflag:$0x0] =	sbarrier.arrive $0xFFFF  }
0xe9: {  	_ =	strace $0x90000047  }
0xea: {  	s0 =	stileid.u32;
	[bflag:$0x2] =	sbarrier.arrive $0xFFFF  }
0xeb: {  	p0 =	sne.s32 s0, $0x0;
	s0 =	rddreg [dreg:$0x2]  }
0xec: {  	s0 =	sadd.s32 @!p0 $0x100000, s0  }
0xed: {  	[sflag:s0] =	ssyncadd.tile.s32 @!p0 $0x1;
	_ =	shalt  }
.Lfunc_end2:
_tile_overlayer_lowered:
.L_overlay_start_2:
0xee: {  	(tag) =	ssettag $0x2  }
0xef: {  	s0 =	rddreg [dreg:$0x0];
	s2 =	stileid.u32  }
0xf0: {  	s1 =	rddreg [dreg:$0x1];
	p0 =	sne.s32 s2, $0x0  }
0xf1: {  	s3 =	rddreg [dreg:$0x2];
	[bflag:$0x3] =	sbarrier.arrive $0xFFFF;
	s2 =	simm.s32 @!p0 $0x1C02  }
0xf2: {  	[timem:s3], [sflag:s2] =	dma.local @!p0 [hbm:s0], s1  }
0xf3: {  	s0 =	simm.s32 @!p0 $0x2  }
0xf4: {  	_ =	swait.ge @!p0 [sflag:s0], s1  }
0xf5: {  	s1 =	ssub.s32 @!p0 $0x0, s1;
	[sflag:s0] =	ssyncset.done @!p0 $0x0  }
0xf6: {  	[sflag:s0] =	ssyncadd.s32 @!p0 s1  }
0xf7: {  	[bflag:$0x3] =	sbarrier.arrive $0xFFFF  }
0xf8: {  	_ =	shalt  }

</sc_bundles>
